<compile_context>
chip_gen: v7x
topology: tpu7x:2x2x1
jax: 0.10.2.dev20260603
libtpu: 0.0.44.dev20260713+nightly
codegen_flags: <defaults>
</compile_context>

<pallas_src>
import functools

import jax
import jax.numpy as jnp
from jax import lax
from jax.experimental import pallas as pl
from jax.experimental.pallas import tpu as pltpu
from jax.experimental.pallas import tpu_sc as plsc

B = 16384
EMB = 16
HID = 64
NB = 1000
NM = 1000
NSLOT = 7
XW = 128

NC = 2
NS = 16
NW = NC * NS
BPW = B // NW
CHUNK = 128
NGRP = BPW // CHUNK


def _sc_gather_body(tab_hbm, idx_hbm, out_hbm, idx_v, out_v, sem):
    cid = lax.axis_index("c")
    sid = lax.axis_index("s")
    wid = sid * NC + cid

    pltpu.sync_copy(idx_hbm.at[:, pl.ds(wid * BPW, BPW)], idx_v)

    descs = []
    for g in range(NGRP):
        descs.append(
            pltpu.async_copy(
                tab_hbm.at[idx_v.at[0, pl.ds(g * CHUNK, CHUNK)], :],
                out_v.at[pl.ds(g * CHUNK, CHUNK), :],
                sem,
            )
        )
    for d in descs:
        d.wait()

    descs = []
    for g in range(NGRP):
        for s in range(1, NSLOT):
            descs.append(
                pltpu.async_copy(
                    tab_hbm.at[idx_v.at[s, pl.ds(g * CHUNK, CHUNK)], :],
                    out_v.at[pl.ds(g * CHUNK, CHUNK), :],
                    sem,
                    add=True,
                )
            )
    for d in descs:
        d.wait()

    pltpu.sync_copy(out_v, out_hbm.at[pl.ds(wid * BPW, BPW), :])


_sc_gather = functools.partial(
    pl.kernel,
    out_type=jax.ShapeDtypeStruct((B, XW), jnp.float32),
    mesh=plsc.VectorSubcoreMesh(core_axis_name="c", subcore_axis_name="s"),
    scratch_types=[
        pltpu.VMEM((NSLOT + 1, BPW), jnp.int32),
        pltpu.VMEM((BPW, XW), jnp.float32),
        pltpu.SemaphoreType.DMA,
    ],
)(_sc_gather_body)


BLK = 2048


def _mlp_body(x_ref, w1_ref, b1_ref, w2_ref, b2_ref, o_ref):
    h = jnp.dot(x_ref[...], w1_ref[...], preferred_element_type=jnp.float32)
    h = jnp.maximum(h + b1_ref[...], 0.0)
    o_ref[...] = (
        jnp.dot(
            h.astype(jnp.bfloat16),
            w2_ref[...],
            preferred_element_type=jnp.float32,
        )
        + b2_ref[...]
    )


def _tc_mlp(x, w1p, b1r, w2t, b2r):
    return pl.pallas_call(
        _mlp_body,
        out_shape=jax.ShapeDtypeStruct((B, NB), jnp.float32),
        grid=(B // BLK,),
        in_specs=[
            pl.BlockSpec((BLK, XW), lambda i: (i, 0)),
            pl.BlockSpec((XW, HID), lambda i: (0, 0)),
            pl.BlockSpec((1, HID), lambda i: (0, 0)),
            pl.BlockSpec((HID, NB), lambda i: (0, 0)),
            pl.BlockSpec((1, NB), lambda i: (0, 0)),
        ],
        out_specs=pl.BlockSpec((BLK, NB), lambda i: (i, 0)),
        compiler_params=pltpu.CompilerParams(
            dimension_semantics=("parallel",),
            vmem_limit_bytes=100 * 1024 * 1024,
        ),
    )(x, w1p, b1r, w2t, b2r)


def kernel(friends, enemies, map_idx, brawler_emb, map_emb, W1, b1, W2, b2):
    tab7 = jnp.concatenate(
        [
            jnp.pad(brawler_emb, ((0, 0), (16 * s, XW - EMB - 16 * s)))
            for s in range(6)
        ]
        + [jnp.pad(map_emb, ((0, 0), (16 * 6, XW - EMB - 16 * 6)))],
        axis=0,
    )

    off_f = (jnp.arange(3, dtype=jnp.int32) * NB)[:, None]
    off_e = ((3 + jnp.arange(3, dtype=jnp.int32)) * NB)[:, None]
    idx_sm = jnp.concatenate(
        [
            friends.astype(jnp.int32).T + off_f,
            enemies.astype(jnp.int32).T + off_e,
            map_idx.astype(jnp.int32).T + 6 * NB,
            jnp.zeros((1, B), jnp.int32),
        ],
        axis=0,
    )

    x = _sc_gather(tab7, idx_sm)

    w1p = jnp.concatenate(
        [W1.T, jnp.zeros((XW - W1.shape[1], HID), jnp.float32)], axis=0
    )
    b1r = b1.reshape(1, HID)
    w2t = W2.T.astype(jnp.bfloat16)
    b2r = b2.reshape(1, NB)
    return _tc_mlp(x, w1p, b1r, w2t, b2r)

# --- scband reference (transcript-rebuilt; emitter-appended) ---
"""Pipeline reference for scband-brawler-prediction-model-44220983280264 (READ-ONLY COPY).

The authoritative reference and input builder live on the scoring server;
editing this copy changes nothing except your own understanding.
"""

import jax, jax.numpy as jnp
import numpy as np

NUM_BRAWLERS = 1000
NUM_MAPS = 1000
EMB_DIM = 16
HIDDEN_DIM = 64
BATCH = 16384
PAD_IDX = 0


def setup_inputs(seed: int = 0) -> dict:
    key = jax.random.key(seed)
    k1, k2, k3, k4, k5, k6, k7, k8, k9 = jax.random.split(key, 9)
    friends = jax.random.randint(k1, (BATCH, 3), 0, NUM_BRAWLERS, dtype=jnp.int64 if jax.config.jax_enable_x64 else jnp.int32)
    enemies = jax.random.randint(k2, (BATCH, 3), 0, NUM_BRAWLERS, dtype=jnp.int64 if jax.config.jax_enable_x64 else jnp.int32)
    map_idx = jax.random.randint(k3, (BATCH, 1), 0, NUM_MAPS, dtype=jnp.int64 if jax.config.jax_enable_x64 else jnp.int32)
    brawler_emb = jax.random.normal(k4, (NUM_BRAWLERS, EMB_DIM), dtype=jnp.float32)
    # torch nn.Embedding with padding_idx zeroes that row
    brawler_emb = brawler_emb.at[PAD_IDX].set(0.0)
    map_emb = jax.random.normal(k5, (NUM_MAPS, EMB_DIM), dtype=jnp.float32)
    in_dim = (3 + 3 + 1) * EMB_DIM
    lim1 = 1.0 / np.sqrt(in_dim)
    W1 = jax.random.uniform(k6, (HIDDEN_DIM, in_dim), minval=-lim1, maxval=lim1, dtype=jnp.float32)
    b1 = jax.random.uniform(k7, (HIDDEN_DIM,), minval=-lim1, maxval=lim1, dtype=jnp.float32)
    lim2 = 1.0 / np.sqrt(HIDDEN_DIM)
    W2 = jax.random.uniform(k8, (NUM_BRAWLERS, HIDDEN_DIM), minval=-lim2, maxval=lim2, dtype=jnp.float32)
    b2 = jax.random.uniform(k9, (NUM_BRAWLERS,), minval=-lim2, maxval=lim2, dtype=jnp.float32)
    return {"friends": friends, "enemies": enemies, "map_idx": map_idx,
            "brawler_emb": brawler_emb, "map_emb": map_emb,
            "W1": W1, "b1": b1, "W2": W2, "b2": b2}


def reference(friends, enemies, map_idx, brawler_emb, map_emb, W1, b1, W2, b2):
    emb_friends = jnp.take(brawler_emb, friends, axis=0)  # (B, 3, E)
    emb_enemies = jnp.take(brawler_emb, enemies, axis=0)  # (B, 3, E)
    emb_map = jnp.take(map_emb, map_idx, axis=0)          # (B, 1, E)
    emb_map = jnp.squeeze(emb_map, axis=1)                # (B, E)
    B = emb_friends.shape[0]
    emb_friends = emb_friends.reshape(B, -1)
    emb_enemies = emb_enemies.reshape(B, -1)
    x = jnp.concatenate([emb_friends, emb_enemies, emb_map], axis=1)
    x = jax.nn.relu(x @ W1.T + b1)
    logits = x @ W2.T + b2
    return logits

if __name__ == "__main__":
    import jax
    _d = setup_inputs()
    print(jax.jit(kernel)(*tuple(_d.values())))

</pallas_src>

<mosaic_0001>
#map = affine_map<(d0, d1) -> (0, 0)>
module attributes {stable_mosaic.version = 14 : i64} {
  func.func @_sc_gather_body(%arg0: i32, %arg1: i32, %arg2: memref<7000x128xf32, #tpu.memory_space<hbm>>, %arg3: memref<8x16384xi32, #tpu.memory_space<hbm>>, %arg4: memref<16384x128xf32, #tpu.memory_space<hbm>>, %arg5: memref<8x512xi32, #tpu.memory_space<vmem>>, %arg6: memref<512x128xf32, #tpu.memory_space<vmem>>, %arg7: memref<!tpu.dma_semaphore, #tpu.memory_space<semaphore_mem>>) attributes {dimension_semantics = [#tpu.dimension_semantics<core_parallel>, #tpu.dimension_semantics<subcore_parallel>], iteration_bounds = array<i64: 2, 16>, scalar_prefetch = 0 : i64, scratch_operands = 3 : i64, tpu.core_type = #tpu.core_type<sc_vector_subcore>, window_params = [{transform_indices = #map}, {transform_indices = #map}, {transform_indices = #map}]} {
    %mul3A = arith.constant 2 : i32
    %mul3A_0 = arith.muli %arg1, %mul3A : i32
    %add3A = arith.addi %mul3A_0, %arg0 : i32
    %mul3A_1 = arith.constant 512 : i32
    %mul3A_2 = arith.muli %add3A, %mul3A_1 : i32
    "tpu.region"() ({
      %run_scoped3A = tpu.sem_alloc : memref<!tpu.dma_semaphore, #tpu.memory_space<semaphore_mem>>
      %dma_start3A_563 = arith.constant 0 : i32
      %dma_start3A_564 = tpu.memref_slice %arg3[%dma_start3A_563, %mul3A_2] : memref<8x16384xi32, #tpu.memory_space<hbm>> -> memref<8x512xi32, #tpu.memory_space<hbm>>
      %dma_start3A_565 = arith.constant 0 : i32
      %dma_start3A_566 = tpu.memref_slice %arg3[%dma_start3A_565, %mul3A_2] : memref<8x16384xi32, #tpu.memory_space<hbm>> -> memref<8x512xi32, #tpu.memory_space<hbm>>
      tpu.enqueue_dma source(%dma_start3A_566 : memref<8x512xi32, #tpu.memory_space<hbm>>) target(%arg5 : memref<8x512xi32, #tpu.memory_space<vmem>>) target_semaphore(%run_scoped3A : memref<!tpu.dma_semaphore, #tpu.memory_space<semaphore_mem>>)
      %dma_wait3A_567 = arith.constant 0 : i32
      %dma_wait3A_568 = tpu.memref_slice %arg3[%dma_wait3A_567, %mul3A_2] : memref<8x16384xi32, #tpu.memory_space<hbm>> -> memref<8x512xi32, #tpu.memory_space<hbm>>
      %dma_wait3A_569 = arith.constant 0 : i32
      %dma_wait3A_570 = tpu.memref_slice %arg3[%dma_wait3A_569, %mul3A_2] : memref<8x16384xi32, #tpu.memory_space<hbm>> -> memref<8x512xi32, #tpu.memory_space<hbm>>
      tpu.wait_dma2 semaphore(%run_scoped3A : memref<!tpu.dma_semaphore, #tpu.memory_space<semaphore_mem>>) src(%dma_wait3A_570 : memref<8x512xi32, #tpu.memory_space<hbm>>) dst(%arg5 : memref<8x512xi32, #tpu.memory_space<vmem>>)
      tpu.yield
    }) : () -> ()
    %dma_start3A = arith.constant 0 : i32
    %dma_start3A_3 = arith.constant 0 : i32
    %dma_start3A_4 = arith.constant 0 : i32
    %dma_start3A_5 = tpu.memref_slice %arg6[%dma_start3A_3, %dma_start3A_4] : memref<512x128xf32, #tpu.memory_space<vmem>> -> memref<128x128xf32, #tpu.memory_space<vmem>>
    %dma_start3A_6 = arith.constant 0 : i32
    %dma_start3A_7 = tpu.memref_slice %arg5[%dma_start3A, %dma_start3A_6] : memref<8x512xi32, #tpu.memory_space<vmem>> -> memref<1x128xi32, #tpu.memory_space<vmem>>
    %dma_start3A_8 = tpu.memref_squeeze %dma_start3A_7 : memref<1x128xi32, #tpu.memory_space<vmem>> -> memref<128xi32, #tpu.memory_space<vmem>>
    %dma_start3A_9 = arith.constant 0 : i32
    %dma_start3A_10 = arith.constant 0 : i32
    %dma_start3A_11 = tpu.memref_slice %arg2[%dma_start3A_9, %dma_start3A_10] : memref<7000x128xf32, #tpu.memory_space<hbm>> -> memref<7000x128xf32, #tpu.memory_space<hbm>>
    tpu.enqueue_indirect_dma source(%dma_start3A_11 : memref<7000x128xf32, #tpu.memory_space<hbm>>) target(%dma_start3A_5 : memref<128x128xf32, #tpu.memory_space<vmem>>) offsets(%dma_start3A_8 : memref<128xi32, #tpu.memory_space<vmem>>) semaphore(%arg7 : memref<!tpu.dma_semaphore, #tpu.memory_space<semaphore_mem>>)
    %dma_start3A_12 = arith.constant 0 : i32
    %dma_start3A_13 = arith.constant 128 : i32
    %dma_start3A_14 = arith.constant 0 : i32
    %dma_start3A_15 = tpu.memref_slice %arg6[%dma_start3A_13, %dma_start3A_14] : memref<512x128xf32, #tpu.memory_space<vmem>> -> memref<128x128xf32, #tpu.memory_space<vmem>>
    %dma_start3A_16 = arith.constant 128 : i32
    %dma_start3A_17 = tpu.memref_slice %arg5[%dma_start3A_12, %dma_start3A_16] : memref<8x512xi32, #tpu.memory_space<vmem>> -> memref<1x128xi32, #tpu.memory_space<vmem>>
    %dma_start3A_18 = tpu.memref_squeeze %dma_start3A_17 : memref<1x128xi32, #tpu.memory_space<vmem>> -> memref<128xi32, #tpu.memory_space<vmem>>
    %dma_start3A_19 = arith.constant 0 : i32
    %dma_start3A_20 = arith.constant 0 : i32
    %dma_start3A_21 = tpu.memref_slice %arg2[%dma_start3A_19, %dma_start3A_20] : memref<7000x128xf32, #tpu.memory_space<hbm>> -> memref<7000x128xf32, #tpu.memory_space<hbm>>
    tpu.enqueue_indirect_dma source(%dma_start3A_21 : memref<7000x128xf32, #tpu.memory_space<hbm>>) target(%dma_start3A_15 : memref<128x128xf32, #tpu.memory_space<vmem>>) offsets(%dma_start3A_18 : memref<128xi32, #tpu.memory_space<vmem>>) semaphore(%arg7 : memref<!tpu.dma_semaphore, #tpu.memory_space<semaphore_mem>>)
    %dma_start3A_22 = arith.constant 0 : i32
    %dma_start3A_23 = arith.constant 256 : i32
    %dma_start3A_24 = arith.constant 0 : i32
    %dma_start3A_25 = tpu.memref_slice %arg6[%dma_start3A_23, %dma_start3A_24] : memref<512x128xf32, #tpu.memory_space<vmem>> -> memref<128x128xf32, #tpu.memory_space<vmem>>
    %dma_start3A_26 = arith.constant 256 : i32
    %dma_start3A_27 = tpu.memref_slice %arg5[%dma_start3A_22, %dma_start3A_26] : memref<8x512xi32, #tpu.memory_space<vmem>> -> memref<1x128xi32, #tpu.memory_space<vmem>>
    %dma_start3A_28 = tpu.memref_squeeze %dma_start3A_27 : memref<1x128xi32, #tpu.memory_space<vmem>> -> memref<128xi32, #tpu.memory_space<vmem>>
    %dma_start3A_29 = arith.constant 0 : i32
    %dma_start3A_30 = arith.constant 0 : i32
    %dma_start3A_31 = tpu.memref_slice %arg2[%dma_start3A_29, %dma_start3A_30] : memref<7000x128xf32, #tpu.memory_space<hbm>> -> memref<7000x128xf32, #tpu.memory_space<hbm>>
    tpu.enqueue_indirect_dma source(%dma_start3A_31 : memref<7000x128xf32, #tpu.memory_space<hbm>>) target(%dma_start3A_25 : memref<128x128xf32, #tpu.memory_space<vmem>>) offsets(%dma_start3A_28 : memref<128xi32, #tpu.memory_space<vmem>>) semaphore(%arg7 : memref<!tpu.dma_semaphore, #tpu.memory_space<semaphore_mem>>)
    %dma_start3A_32 = arith.constant 0 : i32
    %dma_start3A_33 = arith.constant 384 : i32
    %dma_start3A_34 = arith.constant 0 : i32
    %dma_start3A_35 = tpu.memref_slice %arg6[%dma_start3A_33, %dma_start3A_34] : memref<512x128xf32, #tpu.memory_space<vmem>> -> memref<128x128xf32, #tpu.memory_space<vmem>>
    %dma_start3A_36 = arith.constant 384 : i32
    %dma_start3A_37 = tpu.memref_slice %arg5[%dma_start3A_32, %dma_start3A_36] : memref<8x512xi32, #tpu.memory_space<vmem>> -> memref<1x128xi32, #tpu.memory_space<vmem>>
    %dma_start3A_38 = tpu.memref_squeeze %dma_start3A_37 : memref<1x128xi32, #tpu.memory_space<vmem>> -> memref<128xi32, #tpu.memory_space<vmem>>
    %dma_start3A_39 = arith.constant 0 : i32
    %dma_start3A_40 = arith.constant 0 : i32
    %dma_start3A_41 = tpu.memref_slice %arg2[%dma_start3A_39, %dma_start3A_40] : memref<7000x128xf32, #tpu.memory_space<hbm>> -> memref<7000x128xf32, #tpu.memory_space<hbm>>
    tpu.enqueue_indirect_dma source(%dma_start3A_41 : memref<7000x128xf32, #tpu.memory_space<hbm>>) target(%dma_start3A_35 : memref<128x128xf32, #tpu.memory_space<vmem>>) offsets(%dma_start3A_38 : memref<128xi32, #tpu.memory_space<vmem>>) semaphore(%arg7 : memref<!tpu.dma_semaphore, #tpu.memory_space<semaphore_mem>>)
    %dma_wait3A = arith.constant 0 : i32
    %dma_wait3A_42 = arith.constant 0 : i32
    %dma_wait3A_43 = arith.constant 0 : i32
    %dma_wait3A_44 = tpu.memref_slice %arg6[%dma_wait3A_42, %dma_wait3A_43] : memref<512x128xf32, #tpu.memory_space<vmem>> -> memref<128x128xf32, #tpu.memory_space<vmem>>
    %dma_wait3A_45 = arith.constant 0 : i32
    %dma_wait3A_46 = tpu.memref_slice %arg5[%dma_wait3A, %dma_wait3A_45] : memref<8x512xi32, #tpu.memory_space<vmem>> -> memref<1x128xi32, #tpu.memory_space<vmem>>
    %dma_wait3A_47 = tpu.memref_squeeze %dma_wait3A_46 : memref<1x128xi32, #tpu.memory_space<vmem>> -> memref<128xi32, #tpu.memory_space<vmem>>
    %dma_wait3A_48 = arith.constant 0 : i32
    %dma_wait3A_49 = arith.constant 0 : i32
    %dma_wait3A_50 = tpu.memref_slice %arg2[%dma_wait3A_48, %dma_wait3A_49] : memref<7000x128xf32, #tpu.memory_space<hbm>> -> memref<7000x128xf32, #tpu.memory_space<hbm>>
    tpu.wait_indirect_dma semaphore(%arg7 : memref<!tpu.dma_semaphore, #tpu.memory_space<semaphore_mem>>) src(%dma_wait3A_50 : memref<7000x128xf32, #tpu.memory_space<hbm>>) dst(%dma_wait3A_44 : memref<128x128xf32, #tpu.memory_space<vmem>>)
    %dma_wait3A_51 = arith.constant 0 : i32
    %dma_wait3A_52 = arith.constant 128 : i32
    %dma_wait3A_53 = arith.constant 0 : i32
    %dma_wait3A_54 = tpu.memref_slice %arg6[%dma_wait3A_52, %dma_wait3A_53] : memref<512x128xf32, #tpu.memory_space<vmem>> -> memref<128x128xf32, #tpu.memory_space<vmem>>
    %dma_wait3A_55 = arith.constant 128 : i32
    %dma_wait3A_56 = tpu.memref_slice %arg5[%dma_wait3A_51, %dma_wait3A_55] : memref<8x512xi32, #tpu.memory_space<vmem>> -> memref<1x128xi32, #tpu.memory_space<vmem>>
    %dma_wait3A_57 = tpu.memref_squeeze %dma_wait3A_56 : memref<1x128xi32, #tpu.memory_space<vmem>> -> memref<128xi32, #tpu.memory_space<vmem>>
    %dma_wait3A_58 = arith.constant 0 : i32
    %dma_wait3A_59 = arith.constant 0 : i32
    %dma_wait3A_60 = tpu.memref_slice %arg2[%dma_wait3A_58, %dma_wait3A_59] : memref<7000x128xf32, #tpu.memory_space<hbm>> -> memref<7000x128xf32, #tpu.memory_space<hbm>>
    tpu.wait_indirect_dma semaphore(%arg7 : memref<!tpu.dma_semaphore, #tpu.memory_space<semaphore_mem>>) src(%dma_wait3A_60 : memref<7000x128xf32, #tpu.memory_space<hbm>>) dst(%dma_wait3A_54 : memref<128x128xf32, #tpu.memory_space<vmem>>)
    %dma_wait3A_61 = arith.constant 0 : i32
    %dma_wait3A_62 = arith.constant 256 : i32
    %dma_wait3A_63 = arith.constant 0 : i32
    %dma_wait3A_64 = tpu.memref_slice %arg6[%dma_wait3A_62, %dma_wait3A_63] : memref<512x128xf32, #tpu.memory_space<vmem>> -> memref<128x128xf32, #tpu.memory_space<vmem>>
    %dma_wait3A_65 = arith.constant 256 : i32
    %dma_wait3A_66 = tpu.memref_slice %arg5[%dma_wait3A_61, %dma_wait3A_65] : memref<8x512xi32, #tpu.memory_space<vmem>> -> memref<1x128xi32, #tpu.memory_space<vmem>>
    %dma_wait3A_67 = tpu.memref_squeeze %dma_wait3A_66 : memref<1x128xi32, #tpu.memory_space<vmem>> -> memref<128xi32, #tpu.memory_space<vmem>>
    %dma_wait3A_68 = arith.constant 0 : i32
    %dma_wait3A_69 = arith.constant 0 : i32
    %dma_wait3A_70 = tpu.memref_slice %arg2[%dma_wait3A_68, %dma_wait3A_69] : memref<7000x128xf32, #tpu.memory_space<hbm>> -> memref<7000x128xf32, #tpu.memory_space<hbm>>
    tpu.wait_indirect_dma semaphore(%arg7 : memref<!tpu.dma_semaphore, #tpu.memory_space<semaphore_mem>>) src(%dma_wait3A_70 : memref<7000x128xf32, #tpu.memory_space<hbm>>) dst(%dma_wait3A_64 : memref<128x128xf32, #tpu.memory_space<vmem>>)
    %dma_wait3A_71 = arith.constant 0 : i32
    %dma_wait3A_72 = arith.constant 384 : i32
    %dma_wait3A_73 = arith.constant 0 : i32
    %dma_wait3A_74 = tpu.memref_slice %arg6[%dma_wait3A_72, %dma_wait3A_73] : memref<512x128xf32, #tpu.memory_space<vmem>> -> memref<128x128xf32, #tpu.memory_space<vmem>>
    %dma_wait3A_75 = arith.constant 384 : i32
    %dma_wait3A_76 = tpu.memref_slice %arg5[%dma_wait3A_71, %dma_wait3A_75] : memref<8x512xi32, #tpu.memory_space<vmem>> -> memref<1x128xi32, #tpu.memory_space<vmem>>
    %dma_wait3A_77 = tpu.memref_squeeze %dma_wait3A_76 : memref<1x128xi32, #tpu.memory_space<vmem>> -> memref<128xi32, #tpu.memory_space<vmem>>
    %dma_wait3A_78 = arith.constant 0 : i32
    %dma_wait3A_79 = arith.constant 0 : i32
    %dma_wait3A_80 = tpu.memref_slice %arg2[%dma_wait3A_78, %dma_wait3A_79] : memref<7000x128xf32, #tpu.memory_space<hbm>> -> memref<7000x128xf32, #tpu.memory_space<hbm>>
    tpu.wait_indirect_dma semaphore(%arg7 : memref<!tpu.dma_semaphore, #tpu.memory_space<semaphore_mem>>) src(%dma_wait3A_80 : memref<7000x128xf32, #tpu.memory_space<hbm>>) dst(%dma_wait3A_74 : memref<128x128xf32, #tpu.memory_space<vmem>>)
    %dma_start3A_81 = arith.constant 1 : i32
    %dma_start3A_82 = arith.constant 0 : i32
    %dma_start3A_83 = arith.constant 0 : i32
    %dma_start3A_84 = tpu.memref_slice %arg6[%dma_start3A_82, %dma_start3A_83] : memref<512x128xf32, #tpu.memory_space<vmem>> -> memref<128x128xf32, #tpu.memory_space<vmem>>
    %dma_start3A_85 = arith.constant 0 : i32
    %dma_start3A_86 = tpu.memref_slice %arg5[%dma_start3A_81, %dma_start3A_85] : memref<8x512xi32, #tpu.memory_space<vmem>> -> memref<1x128xi32, #tpu.memory_space<vmem>>
    %dma_start3A_87 = tpu.memref_squeeze %dma_start3A_86 : memref<1x128xi32, #tpu.memory_space<vmem>> -> memref<128xi32, #tpu.memory_space<vmem>>
    %dma_start3A_88 = arith.constant 0 : i32
    %dma_start3A_89 = arith.constant 0 : i32
    %dma_start3A_90 = tpu.memref_slice %arg2[%dma_start3A_88, %dma_start3A_89] : memref<7000x128xf32, #tpu.memory_space<hbm>> -> memref<7000x128xf32, #tpu.memory_space<hbm>>
    tpu.enqueue_indirect_dma source(%dma_start3A_90 : memref<7000x128xf32, #tpu.memory_space<hbm>>) target(%dma_start3A_84 : memref<128x128xf32, #tpu.memory_space<vmem>>) offsets(%dma_start3A_87 : memref<128xi32, #tpu.memory_space<vmem>>) semaphore(%arg7 : memref<!tpu.dma_semaphore, #tpu.memory_space<semaphore_mem>>) {add = true}
    %dma_start3A_91 = arith.constant 2 : i32
    %dma_start3A_92 = arith.constant 0 : i32
    %dma_start3A_93 = arith.constant 0 : i32
    %dma_start3A_94 = tpu.memref_slice %arg6[%dma_start3A_92, %dma_start3A_93] : memref<512x128xf32, #tpu.memory_space<vmem>> -> memref<128x128xf32, #tpu.memory_space<vmem>>
    %dma_start3A_95 = arith.constant 0 : i32
    %dma_start3A_96 = tpu.memref_slice %arg5[%dma_start3A_91, %dma_start3A_95] : memref<8x512xi32, #tpu.memory_space<vmem>> -> memref<1x128xi32, #tpu.memory_space<vmem>>
    %dma_start3A_97 = tpu.memref_squeeze %dma_start3A_96 : memref<1x128xi32, #tpu.memory_space<vmem>> -> memref<128xi32, #tpu.memory_space<vmem>>
    %dma_start3A_98 = arith.constant 0 : i32
    %dma_start3A_99 = arith.constant 0 : i32
    %dma_start3A_100 = tpu.memref_slice %arg2[%dma_start3A_98, %dma_start3A_99] : memref<7000x128xf32, #tpu.memory_space<hbm>> -> memref<7000x128xf32, #tpu.memory_space<hbm>>
    tpu.enqueue_indirect_dma source(%dma_start3A_100 : memref<7000x128xf32, #tpu.memory_space<hbm>>) target(%dma_start3A_94 : memref<128x128xf32, #tpu.memory_space<vmem>>) offsets(%dma_start3A_97 : memref<128xi32, #tpu.memory_space<vmem>>) semaphore(%arg7 : memref<!tpu.dma_semaphore, #tpu.memory_space<semaphore_mem>>) {add = true}
    %dma_start3A_101 = arith.constant 3 : i32
    %dma_start3A_102 = arith.constant 0 : i32
    %dma_start3A_103 = arith.constant 0 : i32
    %dma_start3A_104 = tpu.memref_slice %arg6[%dma_start3A_102, %dma_start3A_103] : memref<512x128xf32, #tpu.memory_space<vmem>> -> memref<128x128xf32, #tpu.memory_space<vmem>>
    %dma_start3A_105 = arith.constant 0 : i32
    %dma_start3A_106 = tpu.memref_slice %arg5[%dma_start3A_101, %dma_start3A_105] : memref<8x512xi32, #tpu.memory_space<vmem>> -> memref<1x128xi32, #tpu.memory_space<vmem>>
    %dma_start3A_107 = tpu.memref_squeeze %dma_start3A_106 : memref<1x128xi32, #tpu.memory_space<vmem>> -> memref<128xi32, #tpu.memory_space<vmem>>
    %dma_start3A_108 = arith.constant 0 : i32
    %dma_start3A_109 = arith.constant 0 : i32
    %dma_start3A_110 = tpu.memref_slice %arg2[%dma_start3A_108, %dma_start3A_109] : memref<7000x128xf32, #tpu.memory_space<hbm>> -> memref<7000x128xf32, #tpu.memory_space<hbm>>
    tpu.enqueue_indirect_dma source(%dma_start3A_110 : memref<7000x128xf32, #tpu.memory_space<hbm>>) target(%dma_start3A_104 : memref<128x128xf32, #tpu.memory_space<vmem>>) offsets(%dma_start3A_107 : memref<128xi32, #tpu.memory_space<vmem>>) semaphore(%arg7 : memref<!tpu.dma_semaphore, #tpu.memory_space<semaphore_mem>>) {add = true}
    %dma_start3A_111 = arith.constant 4 : i32
    %dma_start3A_112 = arith.constant 0 : i32
    %dma_start3A_113 = arith.constant 0 : i32
    %dma_start3A_114 = tpu.memref_slice %arg6[%dma_start3A_112, %dma_start3A_113] : memref<512x128xf32, #tpu.memory_space<vmem>> -> memref<128x128xf32, #tpu.memory_space<vmem>>
    %dma_start3A_115 = arith.constant 0 : i32
    %dma_start3A_116 = tpu.memref_slice %arg5[%dma_start3A_111, %dma_start3A_115] : memref<8x512xi32, #tpu.memory_space<vmem>> -> memref<1x128xi32, #tpu.memory_space<vmem>>
    %dma_start3A_117 = tpu.memref_squeeze %dma_start3A_116 : memref<1x128xi32, #tpu.memory_space<vmem>> -> memref<128xi32, #tpu.memory_space<vmem>>
    %dma_start3A_118 = arith.constant 0 : i32
    %dma_start3A_119 = arith.constant 0 : i32
    %dma_start3A_120 = tpu.memref_slice %arg2[%dma_start3A_118, %dma_start3A_119] : memref<7000x128xf32, #tpu.memory_space<hbm>> -> memref<7000x128xf32, #tpu.memory_space<hbm>>
    tpu.enqueue_indirect_dma source(%dma_start3A_120 : memref<7000x128xf32, #tpu.memory_space<hbm>>) target(%dma_start3A_114 : memref<128x128xf32, #tpu.memory_space<vmem>>) offsets(%dma_start3A_117 : memref<128xi32, #tpu.memory_space<vmem>>) semaphore(%arg7 : memref<!tpu.dma_semaphore, #tpu.memory_space<semaphore_mem>>) {add = true}
    %dma_start3A_121 = arith.constant 5 : i32
    %dma_start3A_122 = arith.constant 0 : i32
    %dma_start3A_123 = arith.constant 0 : i32
    %dma_start3A_124 = tpu.memref_slice %arg6[%dma_start3A_122, %dma_start3A_123] : memref<512x128xf32, #tpu.memory_space<vmem>> -> memref<128x128xf32, #tpu.memory_space<vmem>>
    %dma_start3A_125 = arith.constant 0 : i32
    %dma_start3A_126 = tpu.memref_slice %arg5[%dma_start3A_121, %dma_start3A_125] : memref<8x512xi32, #tpu.memory_space<vmem>> -> memref<1x128xi32, #tpu.memory_space<vmem>>
    %dma_start3A_127 = tpu.memref_squeeze %dma_start3A_126 : memref<1x128xi32, #tpu.memory_space<vmem>> -> memref<128xi32, #tpu.memory_space<vmem>>
    %dma_start3A_128 = arith.constant 0 : i32
    %dma_start3A_129 = arith.constant 0 : i32
    %dma_start3A_130 = tpu.memref_slice %arg2[%dma_start3A_128, %dma_start3A_129] : memref<7000x128xf32, #tpu.memory_space<hbm>> -> memref<7000x128xf32, #tpu.memory_space<hbm>>
    tpu.enqueue_indirect_dma source(%dma_start3A_130 : memref<7000x128xf32, #tpu.memory_space<hbm>>) target(%dma_start3A_124 : memref<128x128xf32, #tpu.memory_space<vmem>>) offsets(%dma_start3A_127 : memref<128xi32, #tpu.memory_space<vmem>>) semaphore(%arg7 : memref<!tpu.dma_semaphore, #tpu.memory_space<semaphore_mem>>) {add = true}
    %dma_start3A_131 = arith.constant 6 : i32
    %dma_start3A_132 = arith.constant 0 : i32
    %dma_start3A_133 = arith.constant 0 : i32
    %dma_start3A_134 = tpu.memref_slice %arg6[%dma_start3A_132, %dma_start3A_133] : memref<512x128xf32, #tpu.memory_space<vmem>> -> memref<128x128xf32, #tpu.memory_space<vmem>>
    %dma_start3A_135 = arith.constant 0 : i32
    %dma_start3A_136 = tpu.memref_slice %arg5[%dma_start3A_131, %dma_start3A_135] : memref<8x512xi32, #tpu.memory_space<vmem>> -> memref<1x128xi32, #tpu.memory_space<vmem>>
    %dma_start3A_137 = tpu.memref_squeeze %dma_start3A_136 : memref<1x128xi32, #tpu.memory_space<vmem>> -> memref<128xi32, #tpu.memory_space<vmem>>
    %dma_start3A_138 = arith.constant 0 : i32
    %dma_start3A_139 = arith.constant 0 : i32
    %dma_start3A_140 = tpu.memref_slice %arg2[%dma_start3A_138, %dma_start3A_139] : memref<7000x128xf32, #tpu.memory_space<hbm>> -> memref<7000x128xf32, #tpu.memory_space<hbm>>
    tpu.enqueue_indirect_dma source(%dma_start3A_140 : memref<7000x128xf32, #tpu.memory_space<hbm>>) target(%dma_start3A_134 : memref<128x128xf32, #tpu.memory_space<vmem>>) offsets(%dma_start3A_137 : memref<128xi32, #tpu.memory_space<vmem>>) semaphore(%arg7 : memref<!tpu.dma_semaphore, #tpu.memory_space<semaphore_mem>>) {add = true}
    %dma_start3A_141 = arith.constant 1 : i32
    %dma_start3A_142 = arith.constant 128 : i32
    %dma_start3A_143 = arith.constant 0 : i32
    %dma_start3A_144 = tpu.memref_slice %arg6[%dma_start3A_142, %dma_start3A_143] : memref<512x128xf32, #tpu.memory_space<vmem>> -> memref<128x128xf32, #tpu.memory_space<vmem>>
    %dma_start3A_145 = arith.constant 128 : i32
    %dma_start3A_146 = tpu.memref_slice %arg5[%dma_start3A_141, %dma_start3A_145] : memref<8x512xi32, #tpu.memory_space<vmem>> -> memref<1x128xi32, #tpu.memory_space<vmem>>
    %dma_start3A_147 = tpu.memref_squeeze %dma_start3A_146 : memref<1x128xi32, #tpu.memory_space<vmem>> -> memref<128xi32, #tpu.memory_space<vmem>>
    %dma_start3A_148 = arith.constant 0 : i32
    %dma_start3A_149 = arith.constant 0 : i32
    %dma_start3A_150 = tpu.memref_slice %arg2[%dma_start3A_148, %dma_start3A_149] : memref<7000x128xf32, #tpu.memory_space<hbm>> -> memref<7000x128xf32, #tpu.memory_space<hbm>>
    tpu.enqueue_indirect_dma source(%dma_start3A_150 : memref<7000x128xf32, #tpu.memory_space<hbm>>) target(%dma_start3A_144 : memref<128x128xf32, #tpu.memory_space<vmem>>) offsets(%dma_start3A_147 : memref<128xi32, #tpu.memory_space<vmem>>) semaphore(%arg7 : memref<!tpu.dma_semaphore, #tpu.memory_space<semaphore_mem>>) {add = true}
    %dma_start3A_151 = arith.constant 2 : i32
    %dma_start3A_152 = arith.constant 128 : i32
    %dma_start3A_153 = arith.constant 0 : i32
    %dma_start3A_154 = tpu.memref_slice %arg6[%dma_start3A_152, %dma_start3A_153] : memref<512x128xf32, #tpu.memory_space<vmem>> -> memref<128x128xf32, #tpu.memory_space<vmem>>
    %dma_start3A_155 = arith.constant 128 : i32
    %dma_start3A_156 = tpu.memref_slice %arg5[%dma_start3A_151, %dma_start3A_155] : memref<8x512xi32, #tpu.memory_space<vmem>> -> memref<1x128xi32, #tpu.memory_space<vmem>>
    %dma_start3A_157 = tpu.memref_squeeze %dma_start3A_156 : memref<1x128xi32, #tpu.memory_space<vmem>> -> memref<128xi32, #tpu.memory_space<vmem>>
    %dma_start3A_158 = arith.constant 0 : i32
    %dma_start3A_159 = arith.constant 0 : i32
    %dma_start3A_160 = tpu.memref_slice %arg2[%dma_start3A_158, %dma_start3A_159] : memref<7000x128xf32, #tpu.memory_space<hbm>> -> memref<7000x128xf32, #tpu.memory_space<hbm>>
    tpu.enqueue_indirect_dma source(%dma_start3A_160 : memref<7000x128xf32, #tpu.memory_space<hbm>>) target(%dma_start3A_154 : memref<128x128xf32, #tpu.memory_space<vmem>>) offsets(%dma_start3A_157 : memref<128xi32, #tpu.memory_space<vmem>>) semaphore(%arg7 : memref<!tpu.dma_semaphore, #tpu.memory_space<semaphore_mem>>) {add = true}
    %dma_start3A_161 = arith.constant 3 : i32
    %dma_start3A_162 = arith.constant 128 : i32
    %dma_start3A_163 = arith.constant 0 : i32
    %dma_start3A_164 = tpu.memref_slice %arg6[%dma_start3A_162, %dma_start3A_163] : memref<512x128xf32, #tpu.memory_space<vmem>> -> memref<128x128xf32, #tpu.memory_space<vmem>>
    %dma_start3A_165 = arith.constant 128 : i32
    %dma_start3A_166 = tpu.memref_slice %arg5[%dma_start3A_161, %dma_start3A_165] : memref<8x512xi32, #tpu.memory_space<vmem>> -> memref<1x128xi32, #tpu.memory_space<vmem>>
    %dma_start3A_167 = tpu.memref_squeeze %dma_start3A_166 : memref<1x128xi32, #tpu.memory_space<vmem>> -> memref<128xi32, #tpu.memory_space<vmem>>
    %dma_start3A_168 = arith.constant 0 : i32
    %dma_start3A_169 = arith.constant 0 : i32
    %dma_start3A_170 = tpu.memref_slice %arg2[%dma_start3A_168, %dma_start3A_169] : memref<7000x128xf32, #tpu.memory_space<hbm>> -> memref<7000x128xf32, #tpu.memory_space<hbm>>
    tpu.enqueue_indirect_dma source(%dma_start3A_170 : memref<7000x128xf32, #tpu.memory_space<hbm>>) target(%dma_start3A_164 : memref<128x128xf32, #tpu.memory_space<vmem>>) offsets(%dma_start3A_167 : memref<128xi32, #tpu.memory_space<vmem>>) semaphore(%arg7 : memref<!tpu.dma_semaphore, #tpu.memory_space<semaphore_mem>>) {add = true}
    %dma_start3A_171 = arith.constant 4 : i32
    %dma_start3A_172 = arith.constant 128 : i32
    %dma_start3A_173 = arith.constant 0 : i32
    %dma_start3A_174 = tpu.memref_slice %arg6[%dma_start3A_172, %dma_start3A_173] : memref<512x128xf32, #tpu.memory_space<vmem>> -> memref<128x128xf32, #tpu.memory_space<vmem>>
    %dma_start3A_175 = arith.constant 128 : i32
    %dma_start3A_176 = tpu.memref_slice %arg5[%dma_start3A_171, %dma_start3A_175] : memref<8x512xi32, #tpu.memory_space<vmem>> -> memref<1x128xi32, #tpu.memory_space<vmem>>
    %dma_start3A_177 = tpu.memref_squeeze %dma_start3A_176 : memref<1x128xi32, #tpu.memory_space<vmem>> -> memref<128xi32, #tpu.memory_space<vmem>>
    %dma_start3A_178 = arith.constant 0 : i32
    %dma_start3A_179 = arith.constant 0 : i32
    %dma_start3A_180 = tpu.memref_slice %arg2[%dma_start3A_178, %dma_start3A_179] : memref<7000x128xf32, #tpu.memory_space<hbm>> -> memref<7000x128xf32, #tpu.memory_space<hbm>>
    tpu.enqueue_indirect_dma source(%dma_start3A_180 : memref<7000x128xf32, #tpu.memory_space<hbm>>) target(%dma_start3A_174 : memref<128x128xf32, #tpu.memory_space<vmem>>) offsets(%dma_start3A_177 : memref<128xi32, #tpu.memory_space<vmem>>) semaphore(%arg7 : memref<!tpu.dma_semaphore, #tpu.memory_space<semaphore_mem>>) {add = true}
    %dma_start3A_181 = arith.constant 5 : i32
    %dma_start3A_182 = arith.constant 128 : i32
    %dma_start3A_183 = arith.constant 0 : i32
    %dma_start3A_184 = tpu.memref_slice %arg6[%dma_start3A_182, %dma_start3A_183] : memref<512x128xf32, #tpu.memory_space<vmem>> -> memref<128x128xf32, #tpu.memory_space<vmem>>
    %dma_start3A_185 = arith.constant 128 : i32
    %dma_start3A_186 = tpu.memref_slice %arg5[%dma_start3A_181, %dma_start3A_185] : memref<8x512xi32, #tpu.memory_space<vmem>> -> memref<1x128xi32, #tpu.memory_space<vmem>>
    %dma_start3A_187 = tpu.memref_squeeze %dma_start3A_186 : memref<1x128xi32, #tpu.memory_space<vmem>> -> memref<128xi32, #tpu.memory_space<vmem>>
    %dma_start3A_188 = arith.constant 0 : i32
    %dma_start3A_189 = arith.constant 0 : i32
    %dma_start3A_190 = tpu.memref_slice %arg2[%dma_start3A_188, %dma_start3A_189] : memref<7000x128xf32, #tpu.memory_space<hbm>> -> memref<7000x128xf32, #tpu.memory_space<hbm>>
    tpu.enqueue_indirect_dma source(%dma_start3A_190 : memref<7000x128xf32, #tpu.memory_space<hbm>>) target(%dma_start3A_184 : memref<128x128xf32, #tpu.memory_space<vmem>>) offsets(%dma_start3A_187 : memref<128xi32, #tpu.memory_space<vmem>>) semaphore(%arg7 : memref<!tpu.dma_semaphore, #tpu.memory_space<semaphore_mem>>) {add = true}
    %dma_start3A_191 = arith.constant 6 : i32
    %dma_start3A_192 = arith.constant 128 : i32
    %dma_start3A_193 = arith.constant 0 : i32
    %dma_start3A_194 = tpu.memref_slice %arg6[%dma_start3A_192, %dma_start3A_193] : memref<512x128xf32, #tpu.memory_space<vmem>> -> memref<128x128xf32, #tpu.memory_space<vmem>>
    %dma_start3A_195 = arith.constant 128 : i32
    %dma_start3A_196 = tpu.memref_slice %arg5[%dma_start3A_191, %dma_start3A_195] : memref<8x512xi32, #tpu.memory_space<vmem>> -> memref<1x128xi32, #tpu.memory_space<vmem>>
    %dma_start3A_197 = tpu.memref_squeeze %dma_start3A_196 : memref<1x128xi32, #tpu.memory_space<vmem>> -> memref<128xi32, #tpu.memory_space<vmem>>
    %dma_start3A_198 = arith.constant 0 : i32
    %dma_start3A_199 = arith.constant 0 : i32
    %dma_start3A_200 = tpu.memref_slice %arg2[%dma_start3A_198, %dma_start3A_199] : memref<7000x128xf32, #tpu.memory_space<hbm>> -> memref<7000x128xf32, #tpu.memory_space<hbm>>
    tpu.enqueue_indirect_dma source(%dma_start3A_200 : memref<7000x128xf32, #tpu.memory_space<hbm>>) target(%dma_start3A_194 : memref<128x128xf32, #tpu.memory_space<vmem>>) offsets(%dma_start3A_197 : memref<128xi32, #tpu.memory_space<vmem>>) semaphore(%arg7 : memref<!tpu.dma_semaphore, #tpu.memory_space<semaphore_mem>>) {add = true}
    %dma_start3A_201 = arith.constant 1 : i32
    %dma_start3A_202 = arith.constant 256 : i32
    %dma_start3A_203 = arith.constant 0 : i32
    %dma_start3A_204 = tpu.memref_slice %arg6[%dma_start3A_202, %dma_start3A_203] : memref<512x128xf32, #tpu.memory_space<vmem>> -> memref<128x128xf32, #tpu.memory_space<vmem>>
    %dma_start3A_205 = arith.constant 256 : i32
    %dma_start3A_206 = tpu.memref_slice %arg5[%dma_start3A_201, %dma_start3A_205] : memref<8x512xi32, #tpu.memory_space<vmem>> -> memref<1x128xi32, #tpu.memory_space<vmem>>
    %dma_start3A_207 = tpu.memref_squeeze %dma_start3A_206 : memref<1x128xi32, #tpu.memory_space<vmem>> -> memref<128xi32, #tpu.memory_space<vmem>>
    %dma_start3A_208 = arith.constant 0 : i32
    %dma_start3A_209 = arith.constant 0 : i32
    %dma_start3A_210 = tpu.memref_slice %arg2[%dma_start3A_208, %dma_start3A_209] : memref<7000x128xf32, #tpu.memory_space<hbm>> -> memref<7000x128xf32, #tpu.memory_space<hbm>>
    tpu.enqueue_indirect_dma source(%dma_start3A_210 : memref<7000x128xf32, #tpu.memory_space<hbm>>) target(%dma_start3A_204 : memref<128x128xf32, #tpu.memory_space<vmem>>) offsets(%dma_start3A_207 : memref<128xi32, #tpu.memory_space<vmem>>) semaphore(%arg7 : memref<!tpu.dma_semaphore, #tpu.memory_space<semaphore_mem>>) {add = true}
    %dma_start3A_211 = arith.constant 2 : i32
    %dma_start3A_212 = arith.constant 256 : i32
    %dma_start3A_213 = arith.constant 0 : i32
    %dma_start3A_214 = tpu.memref_slice %arg6[%dma_start3A_212, %dma_start3A_213] : memref<512x128xf32, #tpu.memory_space<vmem>> -> memref<128x128xf32, #tpu.memory_space<vmem>>
    %dma_start3A_215 = arith.constant 256 : i32
    %dma_start3A_216 = tpu.memref_slice %arg5[%dma_start3A_211, %dma_start3A_215] : memref<8x512xi32, #tpu.memory_space<vmem>> -> memref<1x128xi32, #tpu.memory_space<vmem>>
    %dma_start3A_217 = tpu.memref_squeeze %dma_start3A_216 : memref<1x128xi32, #tpu.memory_space<vmem>> -> memref<128xi32, #tpu.memory_space<vmem>>
    %dma_start3A_218 = arith.constant 0 : i32
    %dma_start3A_219 = arith.constant 0 : i32
    %dma_start3A_220 = tpu.memref_slice %arg2[%dma_start3A_218, %dma_start3A_219] : memref<7000x128xf32, #tpu.memory_space<hbm>> -> memref<7000x128xf32, #tpu.memory_space<hbm>>
    tpu.enqueue_indirect_dma source(%dma_start3A_220 : memref<7000x128xf32, #tpu.memory_space<hbm>>) target(%dma_start3A_214 : memref<128x128xf32, #tpu.memory_space<vmem>>) offsets(%dma_start3A_217 : memref<128xi32, #tpu.memory_space<vmem>>) semaphore(%arg7 : memref<!tpu.dma_semaphore, #tpu.memory_space<semaphore_mem>>) {add = true}
    %dma_start3A_221 = arith.constant 3 : i32
    %dma_start3A_222 = arith.constant 256 : i32
    %dma_start3A_223 = arith.constant 0 : i32
    %dma_start3A_224 = tpu.memref_slice %arg6[%dma_start3A_222, %dma_start3A_223] : memref<512x128xf32, #tpu.memory_space<vmem>> -> memref<128x128xf32, #tpu.memory_space<vmem>>
    %dma_start3A_225 = arith.constant 256 : i32
    %dma_start3A_226 = tpu.memref_slice %arg5[%dma_start3A_221, %dma_start3A_225] : memref<8x512xi32, #tpu.memory_space<vmem>> -> memref<1x128xi32, #tpu.memory_space<vmem>>
    %dma_start3A_227 = tpu.memref_squeeze %dma_start3A_226 : memref<1x128xi32, #tpu.memory_space<vmem>> -> memref<128xi32, #tpu.memory_space<vmem>>
    %dma_start3A_228 = arith.constant 0 : i32
    %dma_start3A_229 = arith.constant 0 : i32
    %dma_start3A_230 = tpu.memref_slice %arg2[%dma_start3A_228, %dma_start3A_229] : memref<7000x128xf32, #tpu.memory_space<hbm>> -> memref<7000x128xf32, #tpu.memory_space<hbm>>
    tpu.enqueue_indirect_dma source(%dma_start3A_230 : memref<7000x128xf32, #tpu.memory_space<hbm>>) target(%dma_start3A_224 : memref<128x128xf32, #tpu.memory_space<vmem>>) offsets(%dma_start3A_227 : memref<128xi32, #tpu.memory_space<vmem>>) semaphore(%arg7 : memref<!tpu.dma_semaphore, #tpu.memory_space<semaphore_mem>>) {add = true}
    %dma_start3A_231 = arith.constant 4 : i32
    %dma_start3A_232 = arith.constant 256 : i32
    %dma_start3A_233 = arith.constant 0 : i32
    %dma_start3A_234 = tpu.memref_slice %arg6[%dma_start3A_232, %dma_start3A_233] : memref<512x128xf32, #tpu.memory_space<vmem>> -> memref<128x128xf32, #tpu.memory_space<vmem>>
    %dma_start3A_235 = arith.constant 256 : i32
    %dma_start3A_236 = tpu.memref_slice %arg5[%dma_start3A_231, %dma_start3A_235] : memref<8x512xi32, #tpu.memory_space<vmem>> -> memref<1x128xi32, #tpu.memory_space<vmem>>
    %dma_start3A_237 = tpu.memref_squeeze %dma_start3A_236 : memref<1x128xi32, #tpu.memory_space<vmem>> -> memref<128xi32, #tpu.memory_space<vmem>>
    %dma_start3A_238 = arith.constant 0 : i32
    %dma_start3A_239 = arith.constant 0 : i32
    %dma_start3A_240 = tpu.memref_slice %arg2[%dma_start3A_238, %dma_start3A_239] : memref<7000x128xf32, #tpu.memory_space<hbm>> -> memref<7000x128xf32, #tpu.memory_space<hbm>>
    tpu.enqueue_indirect_dma source(%dma_start3A_240 : memref<7000x128xf32, #tpu.memory_space<hbm>>) target(%dma_start3A_234 : memref<128x128xf32, #tpu.memory_space<vmem>>) offsets(%dma_start3A_237 : memref<128xi32, #tpu.memory_space<vmem>>) semaphore(%arg7 : memref<!tpu.dma_semaphore, #tpu.memory_space<semaphore_mem>>) {add = true}
    %dma_start3A_241 = arith.constant 5 : i32
    %dma_start3A_242 = arith.constant 256 : i32
    %dma_start3A_243 = arith.constant 0 : i32
    %dma_start3A_244 = tpu.memref_slice %arg6[%dma_start3A_242, %dma_start3A_243] : memref<512x128xf32, #tpu.memory_space<vmem>> -> memref<128x128xf32, #tpu.memory_space<vmem>>
    %dma_start3A_245 = arith.constant 256 : i32
    %dma_start3A_246 = tpu.memref_slice %arg5[%dma_start3A_241, %dma_start3A_245] : memref<8x512xi32, #tpu.memory_space<vmem>> -> memref<1x128xi32, #tpu.memory_space<vmem>>
    %dma_start3A_247 = tpu.memref_squeeze %dma_start3A_246 : memref<1x128xi32, #tpu.memory_space<vmem>> -> memref<128xi32, #tpu.memory_space<vmem>>
    %dma_start3A_248 = arith.constant 0 : i32
    %dma_start3A_249 = arith.constant 0 : i32
    %dma_start3A_250 = tpu.memref_slice %arg2[%dma_start3A_248, %dma_start3A_249] : memref<7000x128xf32, #tpu.memory_space<hbm>> -> memref<7000x128xf32, #tpu.memory_space<hbm>>
    tpu.enqueue_indirect_dma source(%dma_start3A_250 : memref<7000x128xf32, #tpu.memory_space<hbm>>) target(%dma_start3A_244 : memref<128x128xf32, #tpu.memory_space<vmem>>) offsets(%dma_start3A_247 : memref<128xi32, #tpu.memory_space<vmem>>) semaphore(%arg7 : memref<!tpu.dma_semaphore, #tpu.memory_space<semaphore_mem>>) {add = true}
    %dma_start3A_251 = arith.constant 6 : i32
    %dma_start3A_252 = arith.constant 256 : i32
    %dma_start3A_253 = arith.constant 0 : i32
    %dma_start3A_254 = tpu.memref_slice %arg6[%dma_start3A_252, %dma_start3A_253] : memref<512x128xf32, #tpu.memory_space<vmem>> -> memref<128x128xf32, #tpu.memory_space<vmem>>
    %dma_start3A_255 = arith.constant 256 : i32
    %dma_start3A_256 = tpu.memref_slice %arg5[%dma_start3A_251, %dma_start3A_255] : memref<8x512xi32, #tpu.memory_space<vmem>> -> memref<1x128xi32, #tpu.memory_space<vmem>>
    %dma_start3A_257 = tpu.memref_squeeze %dma_start3A_256 : memref<1x128xi32, #tpu.memory_space<vmem>> -> memref<128xi32, #tpu.memory_space<vmem>>
    %dma_start3A_258 = arith.constant 0 : i32
    %dma_start3A_259 = arith.constant 0 : i32
    %dma_start3A_260 = tpu.memref_slice %arg2[%dma_start3A_258, %dma_start3A_259] : memref<7000x128xf32, #tpu.memory_space<hbm>> -> memref<7000x128xf32, #tpu.memory_space<hbm>>
    tpu.enqueue_indirect_dma source(%dma_start3A_260 : memref<7000x128xf32, #tpu.memory_space<hbm>>) target(%dma_start3A_254 : memref<128x128xf32, #tpu.memory_space<vmem>>) offsets(%dma_start3A_257 : memref<128xi32, #tpu.memory_space<vmem>>) semaphore(%arg7 : memref<!tpu.dma_semaphore, #tpu.memory_space<semaphore_mem>>) {add = true}
    %dma_start3A_261 = arith.constant 1 : i32
    %dma_start3A_262 = arith.constant 384 : i32
    %dma_start3A_263 = arith.constant 0 : i32
    %dma_start3A_264 = tpu.memref_slice %arg6[%dma_start3A_262, %dma_start3A_263] : memref<512x128xf32, #tpu.memory_space<vmem>> -> memref<128x128xf32, #tpu.memory_space<vmem>>
    %dma_start3A_265 = arith.constant 384 : i32
    %dma_start3A_266 = tpu.memref_slice %arg5[%dma_start3A_261, %dma_start3A_265] : memref<8x512xi32, #tpu.memory_space<vmem>> -> memref<1x128xi32, #tpu.memory_space<vmem>>
    %dma_start3A_267 = tpu.memref_squeeze %dma_start3A_266 : memref<1x128xi32, #tpu.memory_space<vmem>> -> memref<128xi32, #tpu.memory_space<vmem>>
    %dma_start3A_268 = arith.constant 0 : i32
    %dma_start3A_269 = arith.constant 0 : i32
    %dma_start3A_270 = tpu.memref_slice %arg2[%dma_start3A_268, %dma_start3A_269] : memref<7000x128xf32, #tpu.memory_space<hbm>> -> memref<7000x128xf32, #tpu.memory_space<hbm>>
    tpu.enqueue_indirect_dma source(%dma_start3A_270 : memref<7000x128xf32, #tpu.memory_space<hbm>>) target(%dma_start3A_264 : memref<128x128xf32, #tpu.memory_space<vmem>>) offsets(%dma_start3A_267 : memref<128xi32, #tpu.memory_space<vmem>>) semaphore(%arg7 : memref<!tpu.dma_semaphore, #tpu.memory_space<semaphore_mem>>) {add = true}
    %dma_start3A_271 = arith.constant 2 : i32
    %dma_start3A_272 = arith.constant 384 : i32
    %dma_start3A_273 = arith.constant 0 : i32
    %dma_start3A_274 = tpu.memref_slice %arg6[%dma_start3A_272, %dma_start3A_273] : memref<512x128xf32, #tpu.memory_space<vmem>> -> memref<128x128xf32, #tpu.memory_space<vmem>>
    %dma_start3A_275 = arith.constant 384 : i32
    %dma_start3A_276 = tpu.memref_slice %arg5[%dma_start3A_271, %dma_start3A_275] : memref<8x512xi32, #tpu.memory_space<vmem>> -> memref<1x128xi32, #tpu.memory_space<vmem>>
    %dma_start3A_277 = tpu.memref_squeeze %dma_start3A_276 : memref<1x128xi32, #tpu.memory_space<vmem>> -> memref<128xi32, #tpu.memory_space<vmem>>
    %dma_start3A_278 = arith.constant 0 : i32
    %dma_start3A_279 = arith.constant 0 : i32
    %dma_start3A_280 = tpu.memref_slice %arg2[%dma_start3A_278, %dma_start3A_279] : memref<7000x128xf32, #tpu.memory_space<hbm>> -> memref<7000x128xf32, #tpu.memory_space<hbm>>
    tpu.enqueue_indirect_dma source(%dma_start3A_280 : memref<7000x128xf32, #tpu.memory_space<hbm>>) target(%dma_start3A_274 : memref<128x128xf32, #tpu.memory_space<vmem>>) offsets(%dma_start3A_277 : memref<128xi32, #tpu.memory_space<vmem>>) semaphore(%arg7 : memref<!tpu.dma_semaphore, #tpu.memory_space<semaphore_mem>>) {add = true}
    %dma_start3A_281 = arith.constant 3 : i32
    %dma_start3A_282 = arith.constant 384 : i32
    %dma_start3A_283 = arith.constant 0 : i32
    %dma_start3A_284 = tpu.memref_slice %arg6[%dma_start3A_282, %dma_start3A_283] : memref<512x128xf32, #tpu.memory_space<vmem>> -> memref<128x128xf32, #tpu.memory_space<vmem>>
    %dma_start3A_285 = arith.constant 384 : i32
    %dma_start3A_286 = tpu.memref_slice %arg5[%dma_start3A_281, %dma_start3A_285] : memref<8x512xi32, #tpu.memory_space<vmem>> -> memref<1x128xi32, #tpu.memory_space<vmem>>
    %dma_start3A_287 = tpu.memref_squeeze %dma_start3A_286 : memref<1x128xi32, #tpu.memory_space<vmem>> -> memref<128xi32, #tpu.memory_space<vmem>>
    %dma_start3A_288 = arith.constant 0 : i32
    %dma_start3A_289 = arith.constant 0 : i32
    %dma_start3A_290 = tpu.memref_slice %arg2[%dma_start3A_288, %dma_start3A_289] : memref<7000x128xf32, #tpu.memory_space<hbm>> -> memref<7000x128xf32, #tpu.memory_space<hbm>>
    tpu.enqueue_indirect_dma source(%dma_start3A_290 : memref<7000x128xf32, #tpu.memory_space<hbm>>) target(%dma_start3A_284 : memref<128x128xf32, #tpu.memory_space<vmem>>) offsets(%dma_start3A_287 : memref<128xi32, #tpu.memory_space<vmem>>) semaphore(%arg7 : memref<!tpu.dma_semaphore, #tpu.memory_space<semaphore_mem>>) {add = true}
    %dma_start3A_291 = arith.constant 4 : i32
    %dma_start3A_292 = arith.constant 384 : i32
    %dma_start3A_293 = arith.constant 0 : i32
    %dma_start3A_294 = tpu.memref_slice %arg6[%dma_start3A_292, %dma_start3A_293] : memref<512x128xf32, #tpu.memory_space<vmem>> -> memref<128x128xf32, #tpu.memory_space<vmem>>
    %dma_start3A_295 = arith.constant 384 : i32
    %dma_start3A_296 = tpu.memref_slice %arg5[%dma_start3A_291, %dma_start3A_295] : memref<8x512xi32, #tpu.memory_space<vmem>> -> memref<1x128xi32, #tpu.memory_space<vmem>>
    %dma_start3A_297 = tpu.memref_squeeze %dma_start3A_296 : memref<1x128xi32, #tpu.memory_space<vmem>> -> memref<128xi32, #tpu.memory_space<vmem>>
    %dma_start3A_298 = arith.constant 0 : i32
    %dma_start3A_299 = arith.constant 0 : i32
    %dma_start3A_300 = tpu.memref_slice %arg2[%dma_start3A_298, %dma_start3A_299] : memref<7000x128xf32, #tpu.memory_space<hbm>> -> memref<7000x128xf32, #tpu.memory_space<hbm>>
    tpu.enqueue_indirect_dma source(%dma_start3A_300 : memref<7000x128xf32, #tpu.memory_space<hbm>>) target(%dma_start3A_294 : memref<128x128xf32, #tpu.memory_space<vmem>>) offsets(%dma_start3A_297 : memref<128xi32, #tpu.memory_space<vmem>>) semaphore(%arg7 : memref<!tpu.dma_semaphore, #tpu.memory_space<semaphore_mem>>) {add = true}
    %dma_start3A_301 = arith.constant 5 : i32
    %dma_start3A_302 = arith.constant 384 : i32
    %dma_start3A_303 = arith.constant 0 : i32
    %dma_start3A_304 = tpu.memref_slice %arg6[%dma_start3A_302, %dma_start3A_303] : memref<512x128xf32, #tpu.memory_space<vmem>> -> memref<128x128xf32, #tpu.memory_space<vmem>>
    %dma_start3A_305 = arith.constant 384 : i32
    %dma_start3A_306 = tpu.memref_slice %arg5[%dma_start3A_301, %dma_start3A_305] : memref<8x512xi32, #tpu.memory_space<vmem>> -> memref<1x128xi32, #tpu.memory_space<vmem>>
    %dma_start3A_307 = tpu.memref_squeeze %dma_start3A_306 : memref<1x128xi32, #tpu.memory_space<vmem>> -> memref<128xi32, #tpu.memory_space<vmem>>
    %dma_start3A_308 = arith.constant 0 : i32
    %dma_start3A_309 = arith.constant 0 : i32
    %dma_start3A_310 = tpu.memref_slice %arg2[%dma_start3A_308, %dma_start3A_309] : memref<7000x128xf32, #tpu.memory_space<hbm>> -> memref<7000x128xf32, #tpu.memory_space<hbm>>
    tpu.enqueue_indirect_dma source(%dma_start3A_310 : memref<7000x128xf32, #tpu.memory_space<hbm>>) target(%dma_start3A_304 : memref<128x128xf32, #tpu.memory_space<vmem>>) offsets(%dma_start3A_307 : memref<128xi32, #tpu.memory_space<vmem>>) semaphore(%arg7 : memref<!tpu.dma_semaphore, #tpu.memory_space<semaphore_mem>>) {add = true}
    %dma_start3A_311 = arith.constant 6 : i32
    %dma_start3A_312 = arith.constant 384 : i32
    %dma_start3A_313 = arith.constant 0 : i32
    %dma_start3A_314 = tpu.memref_slice %arg6[%dma_start3A_312, %dma_start3A_313] : memref<512x128xf32, #tpu.memory_space<vmem>> -> memref<128x128xf32, #tpu.memory_space<vmem>>
    %dma_start3A_315 = arith.constant 384 : i32
    %dma_start3A_316 = tpu.memref_slice %arg5[%dma_start3A_311, %dma_start3A_315] : memref<8x512xi32, #tpu.memory_space<vmem>> -> memref<1x128xi32, #tpu.memory_space<vmem>>
    %dma_start3A_317 = tpu.memref_squeeze %dma_start3A_316 : memref<1x128xi32, #tpu.memory_space<vmem>> -> memref<128xi32, #tpu.memory_space<vmem>>
    %dma_start3A_318 = arith.constant 0 : i32
    %dma_start3A_319 = arith.constant 0 : i32
    %dma_start3A_320 = tpu.memref_slice %arg2[%dma_start3A_318, %dma_start3A_319] : memref<7000x128xf32, #tpu.memory_space<hbm>> -> memref<7000x128xf32, #tpu.memory_space<hbm>>
    tpu.enqueue_indirect_dma source(%dma_start3A_320 : memref<7000x128xf32, #tpu.memory_space<hbm>>) target(%dma_start3A_314 : memref<128x128xf32, #tpu.memory_space<vmem>>) offsets(%dma_start3A_317 : memref<128xi32, #tpu.memory_space<vmem>>) semaphore(%arg7 : memref<!tpu.dma_semaphore, #tpu.memory_space<semaphore_mem>>) {add = true}
    %dma_wait3A_321 = arith.constant 1 : i32
    %dma_wait3A_322 = arith.constant 0 : i32
    %dma_wait3A_323 = arith.constant 0 : i32
    %dma_wait3A_324 = tpu.memref_slice %arg6[%dma_wait3A_322, %dma_wait3A_323] : memref<512x128xf32, #tpu.memory_space<vmem>> -> memref<128x128xf32, #tpu.memory_space<vmem>>
    %dma_wait3A_325 = arith.constant 0 : i32
    %dma_wait3A_326 = tpu.memref_slice %arg5[%dma_wait3A_321, %dma_wait3A_325] : memref<8x512xi32, #tpu.memory_space<vmem>> -> memref<1x128xi32, #tpu.memory_space<vmem>>
    %dma_wait3A_327 = tpu.memref_squeeze %dma_wait3A_326 : memref<1x128xi32, #tpu.memory_space<vmem>> -> memref<128xi32, #tpu.memory_space<vmem>>
    %dma_wait3A_328 = arith.constant 0 : i32
    %dma_wait3A_329 = arith.constant 0 : i32
    %dma_wait3A_330 = tpu.memref_slice %arg2[%dma_wait3A_328, %dma_wait3A_329] : memref<7000x128xf32, #tpu.memory_space<hbm>> -> memref<7000x128xf32, #tpu.memory_space<hbm>>
    tpu.wait_indirect_dma semaphore(%arg7 : memref<!tpu.dma_semaphore, #tpu.memory_space<semaphore_mem>>) src(%dma_wait3A_330 : memref<7000x128xf32, #tpu.memory_space<hbm>>) dst(%dma_wait3A_324 : memref<128x128xf32, #tpu.memory_space<vmem>>)
    %dma_wait3A_331 = arith.constant 2 : i32
    %dma_wait3A_332 = arith.constant 0 : i32
    %dma_wait3A_333 = arith.constant 0 : i32
    %dma_wait3A_334 = tpu.memref_slice %arg6[%dma_wait3A_332, %dma_wait3A_333] : memref<512x128xf32, #tpu.memory_space<vmem>> -> memref<128x128xf32, #tpu.memory_space<vmem>>
    %dma_wait3A_335 = arith.constant 0 : i32
    %dma_wait3A_336 = tpu.memref_slice %arg5[%dma_wait3A_331, %dma_wait3A_335] : memref<8x512xi32, #tpu.memory_space<vmem>> -> memref<1x128xi32, #tpu.memory_space<vmem>>
    %dma_wait3A_337 = tpu.memref_squeeze %dma_wait3A_336 : memref<1x128xi32, #tpu.memory_space<vmem>> -> memref<128xi32, #tpu.memory_space<vmem>>
    %dma_wait3A_338 = arith.constant 0 : i32
    %dma_wait3A_339 = arith.constant 0 : i32
    %dma_wait3A_340 = tpu.memref_slice %arg2[%dma_wait3A_338, %dma_wait3A_339] : memref<7000x128xf32, #tpu.memory_space<hbm>> -> memref<7000x128xf32, #tpu.memory_space<hbm>>
    tpu.wait_indirect_dma semaphore(%arg7 : memref<!tpu.dma_semaphore, #tpu.memory_space<semaphore_mem>>) src(%dma_wait3A_340 : memref<7000x128xf32, #tpu.memory_space<hbm>>) dst(%dma_wait3A_334 : memref<128x128xf32, #tpu.memory_space<vmem>>)
    %dma_wait3A_341 = arith.constant 3 : i32
    %dma_wait3A_342 = arith.constant 0 : i32
    %dma_wait3A_343 = arith.constant 0 : i32
    %dma_wait3A_344 = tpu.memref_slice %arg6[%dma_wait3A_342, %dma_wait3A_343] : memref<512x128xf32, #tpu.memory_space<vmem>> -> memref<128x128xf32, #tpu.memory_space<vmem>>
    %dma_wait3A_345 = arith.constant 0 : i32
    %dma_wait3A_346 = tpu.memref_slice %arg5[%dma_wait3A_341, %dma_wait3A_345] : memref<8x512xi32, #tpu.memory_space<vmem>> -> memref<1x128xi32, #tpu.memory_space<vmem>>
    %dma_wait3A_347 = tpu.memref_squeeze %dma_wait3A_346 : memref<1x128xi32, #tpu.memory_space<vmem>> -> memref<128xi32, #tpu.memory_space<vmem>>
    %dma_wait3A_348 = arith.constant 0 : i32
    %dma_wait3A_349 = arith.constant 0 : i32
    %dma_wait3A_350 = tpu.memref_slice %arg2[%dma_wait3A_348, %dma_wait3A_349] : memref<7000x128xf32, #tpu.memory_space<hbm>> -> memref<7000x128xf32, #tpu.memory_space<hbm>>
    tpu.wait_indirect_dma semaphore(%arg7 : memref<!tpu.dma_semaphore, #tpu.memory_space<semaphore_mem>>) src(%dma_wait3A_350 : memref<7000x128xf32, #tpu.memory_space<hbm>>) dst(%dma_wait3A_344 : memref<128x128xf32, #tpu.memory_space<vmem>>)
    %dma_wait3A_351 = arith.constant 4 : i32
    %dma_wait3A_352 = arith.constant 0 : i32
    %dma_wait3A_353 = arith.constant 0 : i32
    %dma_wait3A_354 = tpu.memref_slice %arg6[%dma_wait3A_352, %dma_wait3A_353] : memref<512x128xf32, #tpu.memory_space<vmem>> -> memref<128x128xf32, #tpu.memory_space<vmem>>
    %dma_wait3A_355 = arith.constant 0 : i32
    %dma_wait3A_356 = tpu.memref_slice %arg5[%dma_wait3A_351, %dma_wait3A_355] : memref<8x512xi32, #tpu.memory_space<vmem>> -> memref<1x128xi32, #tpu.memory_space<vmem>>
    %dma_wait3A_357 = tpu.memref_squeeze %dma_wait3A_356 : memref<1x128xi32, #tpu.memory_space<vmem>> -> memref<128xi32, #tpu.memory_space<vmem>>
    %dma_wait3A_358 = arith.constant 0 : i32
    %dma_wait3A_359 = arith.constant 0 : i32
    %dma_wait3A_360 = tpu.memref_slice %arg2[%dma_wait3A_358, %dma_wait3A_359] : memref<7000x128xf32, #tpu.memory_space<hbm>> -> memref<7000x128xf32, #tpu.memory_space<hbm>>
    tpu.wait_indirect_dma semaphore(%arg7 : memref<!tpu.dma_semaphore, #tpu.memory_space<semaphore_mem>>) src(%dma_wait3A_360 : memref<7000x128xf32, #tpu.memory_space<hbm>>) dst(%dma_wait3A_354 : memref<128x128xf32, #tpu.memory_space<vmem>>)
    %dma_wait3A_361 = arith.constant 5 : i32
    %dma_wait3A_362 = arith.constant 0 : i32
    %dma_wait3A_363 = arith.constant 0 : i32
    %dma_wait3A_364 = tpu.memref_slice %arg6[%dma_wait3A_362, %dma_wait3A_363] : memref<512x128xf32, #tpu.memory_space<vmem>> -> memref<128x128xf32, #tpu.memory_space<vmem>>
    %dma_wait3A_365 = arith.constant 0 : i32
    %dma_wait3A_366 = tpu.memref_slice %arg5[%dma_wait3A_361, %dma_wait3A_365] : memref<8x512xi32, #tpu.memory_space<vmem>> -> memref<1x128xi32, #tpu.memory_space<vmem>>
    %dma_wait3A_367 = tpu.memref_squeeze %dma_wait3A_366 : memref<1x128xi32, #tpu.memory_space<vmem>> -> memref<128xi32, #tpu.memory_space<vmem>>
    %dma_wait3A_368 = arith.constant 0 : i32
    %dma_wait3A_369 = arith.constant 0 : i32
    %dma_wait3A_370 = tpu.memref_slice %arg2[%dma_wait3A_368, %dma_wait3A_369] : memref<7000x128xf32, #tpu.memory_space<hbm>> -> memref<7000x128xf32, #tpu.memory_space<hbm>>
    tpu.wait_indirect_dma semaphore(%arg7 : memref<!tpu.dma_semaphore, #tpu.memory_space<semaphore_mem>>) src(%dma_wait3A_370 : memref<7000x128xf32, #tpu.memory_space<hbm>>) dst(%dma_wait3A_364 : memref<128x128xf32, #tpu.memory_space<vmem>>)
    %dma_wait3A_371 = arith.constant 6 : i32
    %dma_wait3A_372 = arith.constant 0 : i32
    %dma_wait3A_373 = arith.constant 0 : i32
    %dma_wait3A_374 = tpu.memref_slice %arg6[%dma_wait3A_372, %dma_wait3A_373] : memref<512x128xf32, #tpu.memory_space<vmem>> -> memref<128x128xf32, #tpu.memory_space<vmem>>
    %dma_wait3A_375 = arith.constant 0 : i32
    %dma_wait3A_376 = tpu.memref_slice %arg5[%dma_wait3A_371, %dma_wait3A_375] : memref<8x512xi32, #tpu.memory_space<vmem>> -> memref<1x128xi32, #tpu.memory_space<vmem>>
    %dma_wait3A_377 = tpu.memref_squeeze %dma_wait3A_376 : memref<1x128xi32, #tpu.memory_space<vmem>> -> memref<128xi32, #tpu.memory_space<vmem>>
    %dma_wait3A_378 = arith.constant 0 : i32
    %dma_wait3A_379 = arith.constant 0 : i32
    %dma_wait3A_380 = tpu.memref_slice %arg2[%dma_wait3A_378, %dma_wait3A_379] : memref<7000x128xf32, #tpu.memory_space<hbm>> -> memref<7000x128xf32, #tpu.memory_space<hbm>>
    tpu.wait_indirect_dma semaphore(%arg7 : memref<!tpu.dma_semaphore, #tpu.memory_space<semaphore_mem>>) src(%dma_wait3A_380 : memref<7000x128xf32, #tpu.memory_space<hbm>>) dst(%dma_wait3A_374 : memref<128x128xf32, #tpu.memory_space<vmem>>)
    %dma_wait3A_381 = arith.constant 1 : i32
    %dma_wait3A_382 = arith.constant 128 : i32
    %dma_wait3A_383 = arith.constant 0 : i32
    %dma_wait3A_384 = tpu.memref_slice %arg6[%dma_wait3A_382, %dma_wait3A_383] : memref<512x128xf32, #tpu.memory_space<vmem>> -> memref<128x128xf32, #tpu.memory_space<vmem>>
    %dma_wait3A_385 = arith.constant 128 : i32
    %dma_wait3A_386 = tpu.memref_slice %arg5[%dma_wait3A_381, %dma_wait3A_385] : memref<8x512xi32, #tpu.memory_space<vmem>> -> memref<1x128xi32, #tpu.memory_space<vmem>>
    %dma_wait3A_387 = tpu.memref_squeeze %dma_wait3A_386 : memref<1x128xi32, #tpu.memory_space<vmem>> -> memref<128xi32, #tpu.memory_space<vmem>>
    %dma_wait3A_388 = arith.constant 0 : i32
    %dma_wait3A_389 = arith.constant 0 : i32
    %dma_wait3A_390 = tpu.memref_slice %arg2[%dma_wait3A_388, %dma_wait3A_389] : memref<7000x128xf32, #tpu.memory_space<hbm>> -> memref<7000x128xf32, #tpu.memory_space<hbm>>
    tpu.wait_indirect_dma semaphore(%arg7 : memref<!tpu.dma_semaphore, #tpu.memory_space<semaphore_mem>>) src(%dma_wait3A_390 : memref<7000x128xf32, #tpu.memory_space<hbm>>) dst(%dma_wait3A_384 : memref<128x128xf32, #tpu.memory_space<vmem>>)
    %dma_wait3A_391 = arith.constant 2 : i32
    %dma_wait3A_392 = arith.constant 128 : i32
    %dma_wait3A_393 = arith.constant 0 : i32
    %dma_wait3A_394 = tpu.memref_slice %arg6[%dma_wait3A_392, %dma_wait3A_393] : memref<512x128xf32, #tpu.memory_space<vmem>> -> memref<128x128xf32, #tpu.memory_space<vmem>>
    %dma_wait3A_395 = arith.constant 128 : i32
    %dma_wait3A_396 = tpu.memref_slice %arg5[%dma_wait3A_391, %dma_wait3A_395] : memref<8x512xi32, #tpu.memory_space<vmem>> -> memref<1x128xi32, #tpu.memory_space<vmem>>
    %dma_wait3A_397 = tpu.memref_squeeze %dma_wait3A_396 : memref<1x128xi32, #tpu.memory_space<vmem>> -> memref<128xi32, #tpu.memory_space<vmem>>
    %dma_wait3A_398 = arith.constant 0 : i32
    %dma_wait3A_399 = arith.constant 0 : i32
    %dma_wait3A_400 = tpu.memref_slice %arg2[%dma_wait3A_398, %dma_wait3A_399] : memref<7000x128xf32, #tpu.memory_space<hbm>> -> memref<7000x128xf32, #tpu.memory_space<hbm>>
    tpu.wait_indirect_dma semaphore(%arg7 : memref<!tpu.dma_semaphore, #tpu.memory_space<semaphore_mem>>) src(%dma_wait3A_400 : memref<7000x128xf32, #tpu.memory_space<hbm>>) dst(%dma_wait3A_394 : memref<128x128xf32, #tpu.memory_space<vmem>>)
    %dma_wait3A_401 = arith.constant 3 : i32
    %dma_wait3A_402 = arith.constant 128 : i32
    %dma_wait3A_403 = arith.constant 0 : i32
    %dma_wait3A_404 = tpu.memref_slice %arg6[%dma_wait3A_402, %dma_wait3A_403] : memref<512x128xf32, #tpu.memory_space<vmem>> -> memref<128x128xf32, #tpu.memory_space<vmem>>
    %dma_wait3A_405 = arith.constant 128 : i32
    %dma_wait3A_406 = tpu.memref_slice %arg5[%dma_wait3A_401, %dma_wait3A_405] : memref<8x512xi32, #tpu.memory_space<vmem>> -> memref<1x128xi32, #tpu.memory_space<vmem>>
    %dma_wait3A_407 = tpu.memref_squeeze %dma_wait3A_406 : memref<1x128xi32, #tpu.memory_space<vmem>> -> memref<128xi32, #tpu.memory_space<vmem>>
    %dma_wait3A_408 = arith.constant 0 : i32
    %dma_wait3A_409 = arith.constant 0 : i32
    %dma_wait3A_410 = tpu.memref_slice %arg2[%dma_wait3A_408, %dma_wait3A_409] : memref<7000x128xf32, #tpu.memory_space<hbm>> -> memref<7000x128xf32, #tpu.memory_space<hbm>>
    tpu.wait_indirect_dma semaphore(%arg7 : memref<!tpu.dma_semaphore, #tpu.memory_space<semaphore_mem>>) src(%dma_wait3A_410 : memref<7000x128xf32, #tpu.memory_space<hbm>>) dst(%dma_wait3A_404 : memref<128x128xf32, #tpu.memory_space<vmem>>)
    %dma_wait3A_411 = arith.constant 4 : i32
    %dma_wait3A_412 = arith.constant 128 : i32
    %dma_wait3A_413 = arith.constant 0 : i32
    %dma_wait3A_414 = tpu.memref_slice %arg6[%dma_wait3A_412, %dma_wait3A_413] : memref<512x128xf32, #tpu.memory_space<vmem>> -> memref<128x128xf32, #tpu.memory_space<vmem>>
    %dma_wait3A_415 = arith.constant 128 : i32
    %dma_wait3A_416 = tpu.memref_slice %arg5[%dma_wait3A_411, %dma_wait3A_415] : memref<8x512xi32, #tpu.memory_space<vmem>> -> memref<1x128xi32, #tpu.memory_space<vmem>>
    %dma_wait3A_417 = tpu.memref_squeeze %dma_wait3A_416 : memref<1x128xi32, #tpu.memory_space<vmem>> -> memref<128xi32, #tpu.memory_space<vmem>>
    %dma_wait3A_418 = arith.constant 0 : i32
    %dma_wait3A_419 = arith.constant 0 : i32
    %dma_wait3A_420 = tpu.memref_slice %arg2[%dma_wait3A_418, %dma_wait3A_419] : memref<7000x128xf32, #tpu.memory_space<hbm>> -> memref<7000x128xf32, #tpu.memory_space<hbm>>
    tpu.wait_indirect_dma semaphore(%arg7 : memref<!tpu.dma_semaphore, #tpu.memory_space<semaphore_mem>>) src(%dma_wait3A_420 : memref<7000x128xf32, #tpu.memory_space<hbm>>) dst(%dma_wait3A_414 : memref<128x128xf32, #tpu.memory_space<vmem>>)
    %dma_wait3A_421 = arith.constant 5 : i32
    %dma_wait3A_422 = arith.constant 128 : i32
    %dma_wait3A_423 = arith.constant 0 : i32
    %dma_wait3A_424 = tpu.memref_slice %arg6[%dma_wait3A_422, %dma_wait3A_423] : memref<512x128xf32, #tpu.memory_space<vmem>> -> memref<128x128xf32, #tpu.memory_space<vmem>>
    %dma_wait3A_425 = arith.constant 128 : i32
    %dma_wait3A_426 = tpu.memref_slice %arg5[%dma_wait3A_421, %dma_wait3A_425] : memref<8x512xi32, #tpu.memory_space<vmem>> -> memref<1x128xi32, #tpu.memory_space<vmem>>
    %dma_wait3A_427 = tpu.memref_squeeze %dma_wait3A_426 : memref<1x128xi32, #tpu.memory_space<vmem>> -> memref<128xi32, #tpu.memory_space<vmem>>
    %dma_wait3A_428 = arith.constant 0 : i32
    %dma_wait3A_429 = arith.constant 0 : i32
    %dma_wait3A_430 = tpu.memref_slice %arg2[%dma_wait3A_428, %dma_wait3A_429] : memref<7000x128xf32, #tpu.memory_space<hbm>> -> memref<7000x128xf32, #tpu.memory_space<hbm>>
    tpu.wait_indirect_dma semaphore(%arg7 : memref<!tpu.dma_semaphore, #tpu.memory_space<semaphore_mem>>) src(%dma_wait3A_430 : memref<7000x128xf32, #tpu.memory_space<hbm>>) dst(%dma_wait3A_424 : memref<128x128xf32, #tpu.memory_space<vmem>>)
    %dma_wait3A_431 = arith.constant 6 : i32
    %dma_wait3A_432 = arith.constant 128 : i32
    %dma_wait3A_433 = arith.constant 0 : i32
    %dma_wait3A_434 = tpu.memref_slice %arg6[%dma_wait3A_432, %dma_wait3A_433] : memref<512x128xf32, #tpu.memory_space<vmem>> -> memref<128x128xf32, #tpu.memory_space<vmem>>
    %dma_wait3A_435 = arith.constant 128 : i32
    %dma_wait3A_436 = tpu.memref_slice %arg5[%dma_wait3A_431, %dma_wait3A_435] : memref<8x512xi32, #tpu.memory_space<vmem>> -> memref<1x128xi32, #tpu.memory_space<vmem>>
    %dma_wait3A_437 = tpu.memref_squeeze %dma_wait3A_436 : memref<1x128xi32, #tpu.memory_space<vmem>> -> memref<128xi32, #tpu.memory_space<vmem>>
    %dma_wait3A_438 = arith.constant 0 : i32
    %dma_wait3A_439 = arith.constant 0 : i32
    %dma_wait3A_440 = tpu.memref_slice %arg2[%dma_wait3A_438, %dma_wait3A_439] : memref<7000x128xf32, #tpu.memory_space<hbm>> -> memref<7000x128xf32, #tpu.memory_space<hbm>>
    tpu.wait_indirect_dma semaphore(%arg7 : memref<!tpu.dma_semaphore, #tpu.memory_space<semaphore_mem>>) src(%dma_wait3A_440 : memref<7000x128xf32, #tpu.memory_space<hbm>>) dst(%dma_wait3A_434 : memref<128x128xf32, #tpu.memory_space<vmem>>)
    %dma_wait3A_441 = arith.constant 1 : i32
    %dma_wait3A_442 = arith.constant 256 : i32
    %dma_wait3A_443 = arith.constant 0 : i32
    %dma_wait3A_444 = tpu.memref_slice %arg6[%dma_wait3A_442, %dma_wait3A_443] : memref<512x128xf32, #tpu.memory_space<vmem>> -> memref<128x128xf32, #tpu.memory_space<vmem>>
    %dma_wait3A_445 = arith.constant 256 : i32
    %dma_wait3A_446 = tpu.memref_slice %arg5[%dma_wait3A_441, %dma_wait3A_445] : memref<8x512xi32, #tpu.memory_space<vmem>> -> memref<1x128xi32, #tpu.memory_space<vmem>>
    %dma_wait3A_447 = tpu.memref_squeeze %dma_wait3A_446 : memref<1x128xi32, #tpu.memory_space<vmem>> -> memref<128xi32, #tpu.memory_space<vmem>>
    %dma_wait3A_448 = arith.constant 0 : i32
    %dma_wait3A_449 = arith.constant 0 : i32
    %dma_wait3A_450 = tpu.memref_slice %arg2[%dma_wait3A_448, %dma_wait3A_449] : memref<7000x128xf32, #tpu.memory_space<hbm>> -> memref<7000x128xf32, #tpu.memory_space<hbm>>
    tpu.wait_indirect_dma semaphore(%arg7 : memref<!tpu.dma_semaphore, #tpu.memory_space<semaphore_mem>>) src(%dma_wait3A_450 : memref<7000x128xf32, #tpu.memory_space<hbm>>) dst(%dma_wait3A_444 : memref<128x128xf32, #tpu.memory_space<vmem>>)
    %dma_wait3A_451 = arith.constant 2 : i32
    %dma_wait3A_452 = arith.constant 256 : i32
    %dma_wait3A_453 = arith.constant 0 : i32
    %dma_wait3A_454 = tpu.memref_slice %arg6[%dma_wait3A_452, %dma_wait3A_453] : memref<512x128xf32, #tpu.memory_space<vmem>> -> memref<128x128xf32, #tpu.memory_space<vmem>>
    %dma_wait3A_455 = arith.constant 256 : i32
    %dma_wait3A_456 = tpu.memref_slice %arg5[%dma_wait3A_451, %dma_wait3A_455] : memref<8x512xi32, #tpu.memory_space<vmem>> -> memref<1x128xi32, #tpu.memory_space<vmem>>
    %dma_wait3A_457 = tpu.memref_squeeze %dma_wait3A_456 : memref<1x128xi32, #tpu.memory_space<vmem>> -> memref<128xi32, #tpu.memory_space<vmem>>
    %dma_wait3A_458 = arith.constant 0 : i32
    %dma_wait3A_459 = arith.constant 0 : i32
    %dma_wait3A_460 = tpu.memref_slice %arg2[%dma_wait3A_458, %dma_wait3A_459] : memref<7000x128xf32, #tpu.memory_space<hbm>> -> memref<7000x128xf32, #tpu.memory_space<hbm>>
    tpu.wait_indirect_dma semaphore(%arg7 : memref<!tpu.dma_semaphore, #tpu.memory_space<semaphore_mem>>) src(%dma_wait3A_460 : memref<7000x128xf32, #tpu.memory_space<hbm>>) dst(%dma_wait3A_454 : memref<128x128xf32, #tpu.memory_space<vmem>>)
    %dma_wait3A_461 = arith.constant 3 : i32
    %dma_wait3A_462 = arith.constant 256 : i32
    %dma_wait3A_463 = arith.constant 0 : i32
    %dma_wait3A_464 = tpu.memref_slice %arg6[%dma_wait3A_462, %dma_wait3A_463] : memref<512x128xf32, #tpu.memory_space<vmem>> -> memref<128x128xf32, #tpu.memory_space<vmem>>
    %dma_wait3A_465 = arith.constant 256 : i32
    %dma_wait3A_466 = tpu.memref_slice %arg5[%dma_wait3A_461, %dma_wait3A_465] : memref<8x512xi32, #tpu.memory_space<vmem>> -> memref<1x128xi32, #tpu.memory_space<vmem>>
    %dma_wait3A_467 = tpu.memref_squeeze %dma_wait3A_466 : memref<1x128xi32, #tpu.memory_space<vmem>> -> memref<128xi32, #tpu.memory_space<vmem>>
    %dma_wait3A_468 = arith.constant 0 : i32
    %dma_wait3A_469 = arith.constant 0 : i32
    %dma_wait3A_470 = tpu.memref_slice %arg2[%dma_wait3A_468, %dma_wait3A_469] : memref<7000x128xf32, #tpu.memory_space<hbm>> -> memref<7000x128xf32, #tpu.memory_space<hbm>>
    tpu.wait_indirect_dma semaphore(%arg7 : memref<!tpu.dma_semaphore, #tpu.memory_space<semaphore_mem>>) src(%dma_wait3A_470 : memref<7000x128xf32, #tpu.memory_space<hbm>>) dst(%dma_wait3A_464 : memref<128x128xf32, #tpu.memory_space<vmem>>)
    %dma_wait3A_471 = arith.constant 4 : i32
    %dma_wait3A_472 = arith.constant 256 : i32
    %dma_wait3A_473 = arith.constant 0 : i32
    %dma_wait3A_474 = tpu.memref_slice %arg6[%dma_wait3A_472, %dma_wait3A_473] : memref<512x128xf32, #tpu.memory_space<vmem>> -> memref<128x128xf32, #tpu.memory_space<vmem>>
    %dma_wait3A_475 = arith.constant 256 : i32
    %dma_wait3A_476 = tpu.memref_slice %arg5[%dma_wait3A_471, %dma_wait3A_475] : memref<8x512xi32, #tpu.memory_space<vmem>> -> memref<1x128xi32, #tpu.memory_space<vmem>>
    %dma_wait3A_477 = tpu.memref_squeeze %dma_wait3A_476 : memref<1x128xi32, #tpu.memory_space<vmem>> -> memref<128xi32, #tpu.memory_space<vmem>>
    %dma_wait3A_478 = arith.constant 0 : i32
    %dma_wait3A_479 = arith.constant 0 : i32
    %dma_wait3A_480 = tpu.memref_slice %arg2[%dma_wait3A_478, %dma_wait3A_479] : memref<7000x128xf32, #tpu.memory_space<hbm>> -> memref<7000x128xf32, #tpu.memory_space<hbm>>
    tpu.wait_indirect_dma semaphore(%arg7 : memref<!tpu.dma_semaphore, #tpu.memory_space<semaphore_mem>>) src(%dma_wait3A_480 : memref<7000x128xf32, #tpu.memory_space<hbm>>) dst(%dma_wait3A_474 : memref<128x128xf32, #tpu.memory_space<vmem>>)
    %dma_wait3A_481 = arith.constant 5 : i32
    %dma_wait3A_482 = arith.constant 256 : i32
    %dma_wait3A_483 = arith.constant 0 : i32
    %dma_wait3A_484 = tpu.memref_slice %arg6[%dma_wait3A_482, %dma_wait3A_483] : memref<512x128xf32, #tpu.memory_space<vmem>> -> memref<128x128xf32, #tpu.memory_space<vmem>>
    %dma_wait3A_485 = arith.constant 256 : i32
    %dma_wait3A_486 = tpu.memref_slice %arg5[%dma_wait3A_481, %dma_wait3A_485] : memref<8x512xi32, #tpu.memory_space<vmem>> -> memref<1x128xi32, #tpu.memory_space<vmem>>
    %dma_wait3A_487 = tpu.memref_squeeze %dma_wait3A_486 : memref<1x128xi32, #tpu.memory_space<vmem>> -> memref<128xi32, #tpu.memory_space<vmem>>
    %dma_wait3A_488 = arith.constant 0 : i32
    %dma_wait3A_489 = arith.constant 0 : i32
    %dma_wait3A_490 = tpu.memref_slice %arg2[%dma_wait3A_488, %dma_wait3A_489] : memref<7000x128xf32, #tpu.memory_space<hbm>> -> memref<7000x128xf32, #tpu.memory_space<hbm>>
    tpu.wait_indirect_dma semaphore(%arg7 : memref<!tpu.dma_semaphore, #tpu.memory_space<semaphore_mem>>) src(%dma_wait3A_490 : memref<7000x128xf32, #tpu.memory_space<hbm>>) dst(%dma_wait3A_484 : memref<128x128xf32, #tpu.memory_space<vmem>>)
    %dma_wait3A_491 = arith.constant 6 : i32
    %dma_wait3A_492 = arith.constant 256 : i32
    %dma_wait3A_493 = arith.constant 0 : i32
    %dma_wait3A_494 = tpu.memref_slice %arg6[%dma_wait3A_492, %dma_wait3A_493] : memref<512x128xf32, #tpu.memory_space<vmem>> -> memref<128x128xf32, #tpu.memory_space<vmem>>
    %dma_wait3A_495 = arith.constant 256 : i32
    %dma_wait3A_496 = tpu.memref_slice %arg5[%dma_wait3A_491, %dma_wait3A_495] : memref<8x512xi32, #tpu.memory_space<vmem>> -> memref<1x128xi32, #tpu.memory_space<vmem>>
    %dma_wait3A_497 = tpu.memref_squeeze %dma_wait3A_496 : memref<1x128xi32, #tpu.memory_space<vmem>> -> memref<128xi32, #tpu.memory_space<vmem>>
    %dma_wait3A_498 = arith.constant 0 : i32
    %dma_wait3A_499 = arith.constant 0 : i32
    %dma_wait3A_500 = tpu.memref_slice %arg2[%dma_wait3A_498, %dma_wait3A_499] : memref<7000x128xf32, #tpu.memory_space<hbm>> -> memref<7000x128xf32, #tpu.memory_space<hbm>>
    tpu.wait_indirect_dma semaphore(%arg7 : memref<!tpu.dma_semaphore, #tpu.memory_space<semaphore_mem>>) src(%dma_wait3A_500 : memref<7000x128xf32, #tpu.memory_space<hbm>>) dst(%dma_wait3A_494 : memref<128x128xf32, #tpu.memory_space<vmem>>)
    %dma_wait3A_501 = arith.constant 1 : i32
    %dma_wait3A_502 = arith.constant 384 : i32
    %dma_wait3A_503 = arith.constant 0 : i32
    %dma_wait3A_504 = tpu.memref_slice %arg6[%dma_wait3A_502, %dma_wait3A_503] : memref<512x128xf32, #tpu.memory_space<vmem>> -> memref<128x128xf32, #tpu.memory_space<vmem>>
    %dma_wait3A_505 = arith.constant 384 : i32
    %dma_wait3A_506 = tpu.memref_slice %arg5[%dma_wait3A_501, %dma_wait3A_505] : memref<8x512xi32, #tpu.memory_space<vmem>> -> memref<1x128xi32, #tpu.memory_space<vmem>>
    %dma_wait3A_507 = tpu.memref_squeeze %dma_wait3A_506 : memref<1x128xi32, #tpu.memory_space<vmem>> -> memref<128xi32, #tpu.memory_space<vmem>>
    %dma_wait3A_508 = arith.constant 0 : i32
    %dma_wait3A_509 = arith.constant 0 : i32
    %dma_wait3A_510 = tpu.memref_slice %arg2[%dma_wait3A_508, %dma_wait3A_509] : memref<7000x128xf32, #tpu.memory_space<hbm>> -> memref<7000x128xf32, #tpu.memory_space<hbm>>
    tpu.wait_indirect_dma semaphore(%arg7 : memref<!tpu.dma_semaphore, #tpu.memory_space<semaphore_mem>>) src(%dma_wait3A_510 : memref<7000x128xf32, #tpu.memory_space<hbm>>) dst(%dma_wait3A_504 : memref<128x128xf32, #tpu.memory_space<vmem>>)
    %dma_wait3A_511 = arith.constant 2 : i32
    %dma_wait3A_512 = arith.constant 384 : i32
    %dma_wait3A_513 = arith.constant 0 : i32
    %dma_wait3A_514 = tpu.memref_slice %arg6[%dma_wait3A_512, %dma_wait3A_513] : memref<512x128xf32, #tpu.memory_space<vmem>> -> memref<128x128xf32, #tpu.memory_space<vmem>>
    %dma_wait3A_515 = arith.constant 384 : i32
    %dma_wait3A_516 = tpu.memref_slice %arg5[%dma_wait3A_511, %dma_wait3A_515] : memref<8x512xi32, #tpu.memory_space<vmem>> -> memref<1x128xi32, #tpu.memory_space<vmem>>
    %dma_wait3A_517 = tpu.memref_squeeze %dma_wait3A_516 : memref<1x128xi32, #tpu.memory_space<vmem>> -> memref<128xi32, #tpu.memory_space<vmem>>
    %dma_wait3A_518 = arith.constant 0 : i32
    %dma_wait3A_519 = arith.constant 0 : i32
    %dma_wait3A_520 = tpu.memref_slice %arg2[%dma_wait3A_518, %dma_wait3A_519] : memref<7000x128xf32, #tpu.memory_space<hbm>> -> memref<7000x128xf32, #tpu.memory_space<hbm>>
    tpu.wait_indirect_dma semaphore(%arg7 : memref<!tpu.dma_semaphore, #tpu.memory_space<semaphore_mem>>) src(%dma_wait3A_520 : memref<7000x128xf32, #tpu.memory_space<hbm>>) dst(%dma_wait3A_514 : memref<128x128xf32, #tpu.memory_space<vmem>>)
    %dma_wait3A_521 = arith.constant 3 : i32
    %dma_wait3A_522 = arith.constant 384 : i32
    %dma_wait3A_523 = arith.constant 0 : i32
    %dma_wait3A_524 = tpu.memref_slice %arg6[%dma_wait3A_522, %dma_wait3A_523] : memref<512x128xf32, #tpu.memory_space<vmem>> -> memref<128x128xf32, #tpu.memory_space<vmem>>
    %dma_wait3A_525 = arith.constant 384 : i32
    %dma_wait3A_526 = tpu.memref_slice %arg5[%dma_wait3A_521, %dma_wait3A_525] : memref<8x512xi32, #tpu.memory_space<vmem>> -> memref<1x128xi32, #tpu.memory_space<vmem>>
    %dma_wait3A_527 = tpu.memref_squeeze %dma_wait3A_526 : memref<1x128xi32, #tpu.memory_space<vmem>> -> memref<128xi32, #tpu.memory_space<vmem>>
    %dma_wait3A_528 = arith.constant 0 : i32
    %dma_wait3A_529 = arith.constant 0 : i32
    %dma_wait3A_530 = tpu.memref_slice %arg2[%dma_wait3A_528, %dma_wait3A_529] : memref<7000x128xf32, #tpu.memory_space<hbm>> -> memref<7000x128xf32, #tpu.memory_space<hbm>>
    tpu.wait_indirect_dma semaphore(%arg7 : memref<!tpu.dma_semaphore, #tpu.memory_space<semaphore_mem>>) src(%dma_wait3A_530 : memref<7000x128xf32, #tpu.memory_space<hbm>>) dst(%dma_wait3A_524 : memref<128x128xf32, #tpu.memory_space<vmem>>)
    %dma_wait3A_531 = arith.constant 4 : i32
    %dma_wait3A_532 = arith.constant 384 : i32
    %dma_wait3A_533 = arith.constant 0 : i32
    %dma_wait3A_534 = tpu.memref_slice %arg6[%dma_wait3A_532, %dma_wait3A_533] : memref<512x128xf32, #tpu.memory_space<vmem>> -> memref<128x128xf32, #tpu.memory_space<vmem>>
    %dma_wait3A_535 = arith.constant 384 : i32
    %dma_wait3A_536 = tpu.memref_slice %arg5[%dma_wait3A_531, %dma_wait3A_535] : memref<8x512xi32, #tpu.memory_space<vmem>> -> memref<1x128xi32, #tpu.memory_space<vmem>>
    %dma_wait3A_537 = tpu.memref_squeeze %dma_wait3A_536 : memref<1x128xi32, #tpu.memory_space<vmem>> -> memref<128xi32, #tpu.memory_space<vmem>>
    %dma_wait3A_538 = arith.constant 0 : i32
    %dma_wait3A_539 = arith.constant 0 : i32
    %dma_wait3A_540 = tpu.memref_slice %arg2[%dma_wait3A_538, %dma_wait3A_539] : memref<7000x128xf32, #tpu.memory_space<hbm>> -> memref<7000x128xf32, #tpu.memory_space<hbm>>
    tpu.wait_indirect_dma semaphore(%arg7 : memref<!tpu.dma_semaphore, #tpu.memory_space<semaphore_mem>>) src(%dma_wait3A_540 : memref<7000x128xf32, #tpu.memory_space<hbm>>) dst(%dma_wait3A_534 : memref<128x128xf32, #tpu.memory_space<vmem>>)
    %dma_wait3A_541 = arith.constant 5 : i32
    %dma_wait3A_542 = arith.constant 384 : i32
    %dma_wait3A_543 = arith.constant 0 : i32
    %dma_wait3A_544 = tpu.memref_slice %arg6[%dma_wait3A_542, %dma_wait3A_543] : memref<512x128xf32, #tpu.memory_space<vmem>> -> memref<128x128xf32, #tpu.memory_space<vmem>>
    %dma_wait3A_545 = arith.constant 384 : i32
    %dma_wait3A_546 = tpu.memref_slice %arg5[%dma_wait3A_541, %dma_wait3A_545] : memref<8x512xi32, #tpu.memory_space<vmem>> -> memref<1x128xi32, #tpu.memory_space<vmem>>
    %dma_wait3A_547 = tpu.memref_squeeze %dma_wait3A_546 : memref<1x128xi32, #tpu.memory_space<vmem>> -> memref<128xi32, #tpu.memory_space<vmem>>
    %dma_wait3A_548 = arith.constant 0 : i32
    %dma_wait3A_549 = arith.constant 0 : i32
    %dma_wait3A_550 = tpu.memref_slice %arg2[%dma_wait3A_548, %dma_wait3A_549] : memref<7000x128xf32, #tpu.memory_space<hbm>> -> memref<7000x128xf32, #tpu.memory_space<hbm>>
    tpu.wait_indirect_dma semaphore(%arg7 : memref<!tpu.dma_semaphore, #tpu.memory_space<semaphore_mem>>) src(%dma_wait3A_550 : memref<7000x128xf32, #tpu.memory_space<hbm>>) dst(%dma_wait3A_544 : memref<128x128xf32, #tpu.memory_space<vmem>>)
    %dma_wait3A_551 = arith.constant 6 : i32
    %dma_wait3A_552 = arith.constant 384 : i32
    %dma_wait3A_553 = arith.constant 0 : i32
    %dma_wait3A_554 = tpu.memref_slice %arg6[%dma_wait3A_552, %dma_wait3A_553] : memref<512x128xf32, #tpu.memory_space<vmem>> -> memref<128x128xf32, #tpu.memory_space<vmem>>
    %dma_wait3A_555 = arith.constant 384 : i32
    %dma_wait3A_556 = tpu.memref_slice %arg5[%dma_wait3A_551, %dma_wait3A_555] : memref<8x512xi32, #tpu.memory_space<vmem>> -> memref<1x128xi32, #tpu.memory_space<vmem>>
    %dma_wait3A_557 = tpu.memref_squeeze %dma_wait3A_556 : memref<1x128xi32, #tpu.memory_space<vmem>> -> memref<128xi32, #tpu.memory_space<vmem>>
    %dma_wait3A_558 = arith.constant 0 : i32
    %dma_wait3A_559 = arith.constant 0 : i32
    %dma_wait3A_560 = tpu.memref_slice %arg2[%dma_wait3A_558, %dma_wait3A_559] : memref<7000x128xf32, #tpu.memory_space<hbm>> -> memref<7000x128xf32, #tpu.memory_space<hbm>>
    tpu.wait_indirect_dma semaphore(%arg7 : memref<!tpu.dma_semaphore, #tpu.memory_space<semaphore_mem>>) src(%dma_wait3A_560 : memref<7000x128xf32, #tpu.memory_space<hbm>>) dst(%dma_wait3A_554 : memref<128x128xf32, #tpu.memory_space<vmem>>)
    %mul3A_561 = arith.constant 512 : i32
    %mul3A_562 = arith.muli %add3A, %mul3A_561 : i32
    "tpu.region"() ({
      %run_scoped3A = tpu.sem_alloc : memref<!tpu.dma_semaphore, #tpu.memory_space<semaphore_mem>>
      %dma_start3A_563 = arith.constant 0 : i32
      %dma_start3A_564 = tpu.memref_slice %arg4[%mul3A_562, %dma_start3A_563] : memref<16384x128xf32, #tpu.memory_space<hbm>> -> memref<512x128xf32, #tpu.memory_space<hbm>>
      %dma_start3A_565 = arith.constant 0 : i32
      %dma_start3A_566 = tpu.memref_slice %arg4[%mul3A_562, %dma_start3A_565] : memref<16384x128xf32, #tpu.memory_space<hbm>> -> memref<512x128xf32, #tpu.memory_space<hbm>>
      tpu.enqueue_dma source(%arg6 : memref<512x128xf32, #tpu.memory_space<vmem>>) target(%dma_start3A_566 : memref<512x128xf32, #tpu.memory_space<hbm>>) target_semaphore(%run_scoped3A : memref<!tpu.dma_semaphore, #tpu.memory_space<semaphore_mem>>)
      %dma_wait3A_567 = arith.constant 0 : i32
      %dma_wait3A_568 = tpu.memref_slice %arg4[%mul3A_562, %dma_wait3A_567] : memref<16384x128xf32, #tpu.memory_space<hbm>> -> memref<512x128xf32, #tpu.memory_space<hbm>>
      %dma_wait3A_569 = arith.constant 0 : i32
      %dma_wait3A_570 = tpu.memref_slice %arg4[%mul3A_562, %dma_wait3A_569] : memref<16384x128xf32, #tpu.memory_space<hbm>> -> memref<512x128xf32, #tpu.memory_space<hbm>>
      tpu.wait_dma2 semaphore(%run_scoped3A : memref<!tpu.dma_semaphore, #tpu.memory_space<semaphore_mem>>) src(%arg6 : memref<512x128xf32, #tpu.memory_space<vmem>>) dst(%dma_wait3A_570 : memref<512x128xf32, #tpu.memory_space<hbm>>)
      tpu.yield
    }) : () -> ()
    return
  }
}

module attributes {stable_mosaic.version = 14 : i64} {
  func.func @_mlp_body(%arg0: i32, %arg1: memref<2048x128xf32, #tpu.memory_space<vmem>>, %arg2: memref<128x64xf32, #tpu.memory_space<vmem>>, %arg3: memref<1x64xf32, #tpu.memory_space<vmem>>, %arg4: memref<64x1000xbf16, #tpu.memory_space<vmem>>, %arg5: memref<1x1000xf32, #tpu.memory_space<vmem>>, %arg6: memref<2048x1000xf32, #tpu.memory_space<vmem>>) attributes {dimension_semantics = [#tpu.dimension_semantics<parallel>], iteration_bounds = array<i64: 8>, scalar_prefetch = 0 : i64, scratch_operands = 0 : i64, tpu.core_type = #tpu.core_type<tc>, window_params = [{transform_indices = @transform_0, window_bounds = array<i64: 2048, 128>}, {pipeline_mode = #tpu.pipeline_mode<synchronous>, transform_indices = @transform_1, window_bounds = array<i64: 128, 64>}, {pipeline_mode = #tpu.pipeline_mode<synchronous>, transform_indices = @transform_2, window_bounds = array<i64: 1, 64>}, {pipeline_mode = #tpu.pipeline_mode<synchronous>, transform_indices = @transform_3, window_bounds = array<i64: 64, 1000>}, {pipeline_mode = #tpu.pipeline_mode<synchronous>, transform_indices = @transform_4, window_bounds = array<i64: 1, 1000>}, {transform_indices = @transform_5, window_bounds = array<i64: 2048, 1000>}]} {
    %get3A = arith.constant 0 : index
    %get3A_0 = arith.constant 0 : index
    %get3A_1 = vector.load %arg1[%get3A, %get3A_0] : memref<2048x128xf32, #tpu.memory_space<vmem>>, vector<2048x128xf32>
    %get3A_2 = arith.constant 0 : index
    %get3A_3 = arith.constant 0 : index
    %get3A_4 = vector.load %arg2[%get3A_2, %get3A_3] : memref<128x64xf32, #tpu.memory_space<vmem>>, vector<128x64xf32>
    %dot_general3A = arith.constant dense<0.000000e+00> : vector<2048x64xf32>
    %dot_general3A_5 = tpu.matmul %get3A_1, %get3A_4, %dot_general3A {dimension_numbers = #tpu.dot_dimension_numbers<[1], [0], [0], [1], [0, 0, 1, 1], [], []>, transpose_lhs_hint = false} : vector<2048x128xf32>, vector<128x64xf32>, vector<2048x64xf32> -> vector<2048x64xf32>
    %get3A_6 = arith.constant 0 : index
    %get3A_7 = arith.constant 0 : index
    %get3A_8 = vector.load %arg3[%get3A_6, %get3A_7] : memref<1x64xf32, #tpu.memory_space<vmem>>, vector<1x64xf32>
    %add3A = vector.broadcast %get3A_8 : vector<1x64xf32> to vector<2048x64xf32>
    %add3A_9 = arith.addf %dot_general3A_5, %add3A : vector<2048x64xf32>
    %max3A = arith.constant 0.000000e+00 : f32
    %max3A_10 = vector.broadcast %max3A : f32 to vector<2048x64xf32>
    %max3A_11 = arith.maximumf %add3A_9, %max3A_10 : vector<2048x64xf32>
    %convert_element_type3A = arith.truncf %max3A_11 : vector<2048x64xf32> to vector<2048x64xbf16>
    %get3A_12 = arith.constant 0 : index
    %get3A_13 = arith.constant 0 : index
    %get3A_14 = vector.load %arg4[%get3A_12, %get3A_13] : memref<64x1000xbf16, #tpu.memory_space<vmem>>, vector<64x1000xbf16>
    %dot_general3A_15 = arith.constant dense<0.000000e+00> : vector<2048x1000xf32>
    %dot_general3A_16 = tpu.matmul %convert_element_type3A, %get3A_14, %dot_general3A_15 {dimension_numbers = #tpu.dot_dimension_numbers<[1], [0], [0], [1], [0, 0, 1, 1], [], []>, transpose_lhs_hint = false} : vector<2048x64xbf16>, vector<64x1000xbf16>, vector<2048x1000xf32> -> vector<2048x1000xf32>
    %get3A_17 = arith.constant 0 : index
    %get3A_18 = arith.constant 0 : index
    %get3A_19 = vector.load %arg5[%get3A_17, %get3A_18] : memref<1x1000xf32, #tpu.memory_space<vmem>>, vector<1x1000xf32>
    %add3A_20 = vector.broadcast %get3A_19 : vector<1x1000xf32> to vector<2048x1000xf32>
    %add3A_21 = arith.addf %dot_general3A_16, %add3A_20 : vector<2048x1000xf32>
    %swap3A = arith.constant 0 : index
    %swap3A_22 = arith.constant 0 : index
    %swap3A_23 = vector.load %arg6[%swap3A, %swap3A_22] : memref<2048x1000xf32, #tpu.memory_space<vmem>>, vector<2048x1000xf32>
    tpu.vector_store %arg6[%swap3A, %swap3A_22], %add3A_21 {strides = array<i32>} : memref<2048x1000xf32, #tpu.memory_space<vmem>>, vector<2048x1000xf32>,
    return
  }
  func.func @transform_0(%arg0: i32) -> (i32, i32) {
    %c0_i32 = arith.constant 0 : i32
    %c0_i32_0 = arith.constant 0 : i32
    return %arg0, %c0_i32 : i32, i32
  }
  func.func @transform_1(%arg0: i32) -> (i32, i32) {
    %c0_i32 = arith.constant 0 : i32
    %c0_i32_0 = arith.constant 0 : i32
    %c0_i32_1 = arith.constant 0 : i32
    return %c0_i32, %c0_i32_0 : i32, i32
  }
  func.func @transform_2(%arg0: i32) -> (i32, i32) {
    %c0_i32 = arith.constant 0 : i32
    %c0_i32_0 = arith.constant 0 : i32
    %c0_i32_1 = arith.constant 0 : i32
    return %c0_i32, %c0_i32_0 : i32, i32
  }
  func.func @transform_3(%arg0: i32) -> (i32, i32) {
    %c0_i32 = arith.constant 0 : i32
    %c0_i32_0 = arith.constant 0 : i32
    %c0_i32_1 = arith.constant 0 : i32
    return %c0_i32, %c0_i32_0 : i32, i32
  }
  func.func @transform_4(%arg0: i32) -> (i32, i32) {
    %c0_i32 = arith.constant 0 : i32
    %c0_i32_0 = arith.constant 0 : i32
    %c0_i32_1 = arith.constant 0 : i32
    return %c0_i32, %c0_i32_0 : i32, i32
  }
  func.func @transform_5(%arg0: i32) -> (i32, i32) {
    %c0_i32 = arith.constant 0 : i32
    %c0_i32_0 = arith.constant 0 : i32
    return %arg0, %c0_i32 : i32, i32
  }
}

</mosaic_0001>

<sc_bundles>
// kernel: kernel.4.cloned.1.call-start
scs
__scs_entry_jumppad:
0x0: {  	(pc) =	sbr.rel $0x88, $3  }
0x1: {  	(tag) =	ssettag $0x0;
	lr =	simm.s32 $0x1  }
0x2: {  	[smem:$0x3F98] =	sst lr;
	_ =	strace $0xD0000000  }
0x3: {  	_ = 	snop  }
0x4: {  	_ = 	snop  }
0x5: {  	_ = 	snop  }
0x6: {  	_ = 	snop  }
0x7: {  	_ = 	snop  }
__scs_overlays_trampoline_lowered:
0x8: {  	[smem:$0x3FA7] =	sst s0  }
0x9: {  	[smem:$0x3FA8] =	sst s1  }
0xa: {  	[smem:$0x3FA9] =	sst s2  }
0xb: {  	[smem:$0x3FAA] =	sst s3  }
0xc: {  	[smem:$0x3FAB] =	sst s4  }
0xd: {  	[smem:$0x3FAC] =	sst s5  }
0xe: {  	[smem:$0x3FAD] =	sst s6  }
0xf: {  	[smem:$0x3FAE] =	sst s7  }
0x10: {  	[smem:$0x3FAF] =	sst s8  }
0x11: {  	[smem:$0x3FB0] =	sst s9;
	s0 =	simm.s32 @!p0 $0x0  }
0x12: {  	s1 =	sld [smem:$0x3F96];
	s0 =	simm.s32 @p0 $0x1  }
0x13: {  	[smem:$0x3FB1] =	sst s0;
	s0 =	simm.s32 @!p1 $0x0  }
0x14: {  	s2 =	sld [smem:$0x3F95];
	s0 =	simm.s32 @p1 $0x1  }
0x15: {  	[smem:$0x3FB2] =	sst s0;
	s0 =	simm.s32 @!p2 $0x0  }
0x16: {  	s3 =	sld [smem:$0x3FDB];
	s0 =	simm.s32 @p2 $0x1  }
0x17: {  	s4 =	simm.s32 $0x1BF5;
	[smem:$0x3FB4] =	sst s0  }
0x18: {  	s0 =	sld [smem:$0x3F97];
	_ =	swait.ge [sflag:s4], $0x0  }
0x19: {  	s7 =	sld [smem:$0x3F98]  }
0x1a: {  	s8 =	sadd.s32 $0xFFFFE003, lr  }
0x1b: {  	s9 =	sadd.s32 $0xFFFFFEF7, lr;
	s5 =	simm.s32 $0xFFFFFFFF;
	p2 =	slt.u32 s8, $0xFFFFF086  }
0x1c: {  	p1 =	slt.u32 s9, $0xF7A;
	s5 =	simm.s32 @!p2 $0x0  }
0x1d: {  	s5 =	simm.s32 @p1 $0x1;
	p0 =	seq.s32 s7, s2  }
0x1e: {  	s7 =	smul.u32 @!p0 $0xF7A, s2;
	p2 =	seq.s32 @!p0 s5, $0x0  }
0x1f: {  	s9 =	smul.u32 $0xF7A, s1;
	s8 =	simm.s32 @!p0 $0x1BF5;
	p2 =	por !p2, p0  }
0x20: {  	[sflag:s8] =	ssyncset.s32 @!p0 $0xFFFFF086;
	s6 =	sadd.s32 @!p0 s3, s7;
	s7 =	simm.s32 @!p0 $0x108  }
0x21: {  	s3 =	sadd.s32 s3, s9;
	s6 =	sadd.s32 @!p0 $0x88, s6;
	s7 =	simm.s32 @p2 $0x1082  }
0x22: {  	[simem:s7], [sflag:s8] =	dma.local @!p0 [hbm:s6], $0xF7A  }
0x23: {  	s9 =	sor.u32 $0xD0000000, s2;
	s6 =	simm.s32 $0x108;
	_ =	swait.ge @!p0 [sflag:s8], $0x0  }
0x24: {  	s3 =	sadd.s32 $0x88, s3;
	s6 =	simm.s32 @!p1 $0x1082;
	[sflag:s4] =	ssyncset.s32 $0xFFFFF086  }
0x25: {  	[simem:s6], [sflag:s4] =	dma.local [hbm:s3], $0xF7A  }
0x26: {  	[smem:$0x3F98] =	sst s1;
	(tag) =	ssettag s2;
	_ =	strace s9  }
0x27: {  	s1 =	sld [smem:$0x3FA8]  }
0x28: {  	s2 =	sld [smem:$0x3FA9]  }
0x29: {  	s4 =	sld [smem:$0x3FAB]  }
0x2a: {  	p0 =	seq.s32 s5, $0x0;
	s5 =	sld [smem:$0x3FAC]  }
0x2b: {  	s6 =	sld [smem:$0x3FAD]  }
0x2c: {  	s7 =	sld [smem:$0x3FAE]  }
0x2d: {  	s3 =	simm.s32 $0x108;
	s8 =	sld [smem:$0x3FAF]  }
0x2e: {  	s3 =	simm.s32 @!p0 $0x1082;
	s9 =	sld [smem:$0x3FB0]  }
0x2f: {  	lr =	sadd.s32 s0, s3;
	s0 =	sld [smem:$0x3FA7]  }
0x30: {  	s3 =	sld [smem:$0x3FAA]  }
0x31: {  	[smem:$0x3FB3] =	sst s10  }
0x32: {  	s10 =	sld [smem:$0x3FB1];
	_ =	sdelay $0x3  }
0x33: {  	p0 =	seq.s32 s10, $0x1;
	s10 =	sld [smem:$0x3FB3];
	_ =	sdelay $0x3  }
0x34: {  	[smem:$0x3FB3] =	sst s10  }
0x35: {  	s10 =	sld [smem:$0x3FB2];
	_ =	sdelay $0x3  }
0x36: {  	p1 =	seq.s32 s10, $0x1;
	s10 =	sld [smem:$0x3FB3];
	_ =	sdelay $0x3  }
0x37: {  	[smem:$0x3FB3] =	sst s10  }
0x38: {  	s10 =	sld [smem:$0x3FB4]  }
0x39: {  	_ = 	snop;
	(pc) =	sbr.ind lr, $3  }
0x3a: {  	_ = 	snop  }
0x3b: {  	_ = 	snop  }
0x3c: {  	p2 =	seq.s32 s10, $0x1;
	s10 =	sld [smem:$0x3FB3]  }
0x3d: {  	_ =	shalt  }
0x3e: {  	_ =	shalt  }
0x3f: {  	_ =	shalt  }
0x40: {  	_ =	shalt  }
0x41: {  	_ =	shalt  }
0x42: {  	_ =	shalt  }
0x43: {  	_ =	shalt  }
0x44: {  	_ =	shalt  }
0x45: {  	_ =	shalt  }
0x46: {  	_ =	shalt  }
0x47: {  	_ =	shalt  }
0x48: {  	_ =	shalt  }
0x49: {  	_ =	shalt  }
0x4a: {  	_ =	shalt  }
0x4b: {  	_ =	shalt  }
0x4c: {  	_ =	shalt  }
0x4d: {  	_ =	shalt  }
0x4e: {  	_ =	shalt  }
0x4f: {  	_ =	shalt  }
0x50: {  	_ =	shalt  }
0x51: {  	_ =	shalt  }
0x52: {  	_ =	shalt  }
0x53: {  	_ =	shalt  }
0x54: {  	_ =	shalt  }
0x55: {  	_ =	shalt  }
0x56: {  	_ =	shalt  }
0x57: {  	_ =	shalt  }
0x58: {  	_ =	shalt  }
0x59: {  	_ =	shalt  }
0x5a: {  	_ =	shalt  }
0x5b: {  	_ =	shalt  }
0x5c: {  	_ =	shalt  }
0x5d: {  	_ =	shalt  }
0x5e: {  	_ =	shalt  }
0x5f: {  	_ =	shalt  }
0x60: {  	_ =	shalt  }
0x61: {  	_ =	shalt  }
0x62: {  	_ =	shalt  }
0x63: {  	_ =	shalt  }
0x64: {  	_ =	shalt  }
0x65: {  	_ =	shalt  }
0x66: {  	_ =	shalt  }
0x67: {  	_ =	shalt  }
0x68: {  	_ =	shalt  }
0x69: {  	_ =	shalt  }
0x6a: {  	_ =	shalt  }
0x6b: {  	_ =	shalt  }
0x6c: {  	_ =	shalt  }
0x6d: {  	_ =	shalt  }
0x6e: {  	_ =	shalt  }
0x6f: {  	_ =	shalt  }
0x70: {  	_ =	shalt  }
0x71: {  	_ =	shalt  }
0x72: {  	_ =	shalt  }
0x73: {  	_ =	shalt  }
0x74: {  	_ =	shalt  }
0x75: {  	_ =	shalt  }
0x76: {  	_ =	shalt  }
0x77: {  	_ =	shalt  }
0x78: {  	_ =	shalt  }
0x79: {  	_ =	shalt  }
0x7a: {  	_ =	shalt  }
0x7b: {  	_ =	shalt  }
0x7c: {  	_ =	shalt  }
0x7d: {  	_ =	shalt  }
0x7e: {  	_ =	shalt  }
0x7f: {  	_ =	shalt  }
0x80: {  	_ =	shalt  }
0x81: {  	_ =	shalt  }
0x82: {  	_ =	shalt  }
0x83: {  	_ =	shalt  }
0x84: {  	_ =	shalt  }
0x85: {  	_ =	shalt  }
0x86: {  	_ =	shalt  }
0x87: {  	_ =	shalt  }
.Lfunc_end0:
.L_simem_size_0:
called_computation_lowered:
.L_overlay_start_0:
0x88: {  	s2 =	sld [smem:$0x3FD9]  }
0x89: {  	s3 =	sld [smem:$0x3FFE];
	_ =	sdelay $0x1  }
0x8a: {  	s1 =	srdreg.scid  }
0x8b: {  	s0 =	sand.u32 $0x1, s1  }
0x8c: {  	s17 =	sshll.u32 s0, $0xA;
	s2 =	sadd.s32 s3, s2  }
0x8d: {  	s2 =	sadd.s32 s2, s17  }
0x8e: {  	[smem:$0x3FBF] =	sst s2  }
0x8f: {  	_ = 	snop  }
0x90: {  	s2 =	sld [smem:$0x3FD0];
	(tm) =	ssettm $0x1  }
0x91: {  	s18 =	sld [smem:$0x3FFB];
	_ =	sdelay $0x3  }
0x92: {  	_ =	strace s18  }
0x93: {  	s3 =	sld [smem:$0x3FFC];
	_ =	sdelay $0x3  }
0x94: {  	_ =	strace s3  }
0x95: {  	s3 =	sld [smem:$0x3FFD];
	_ =	sdelay $0x3  }
0x96: {  	_ =	strace s3  }
0x97: {  	_ =	strace $0x8FFFFFFF  }
0x98: {  	s19 =	sld [smem:$0x3FDB];
	_ =	sdelay $0x1  }
0x99: {  	s4 =	simm.s32 $_scs_section_size  }
0x9a: {  	s5 =	simm.s32 $_size__tile_overlayer_lowered;
	s6 =	simm.s32 $_tile_overlayer_lowered  }
0x9b: {  	s22 =	simm.s32 $0x1BFF;
	s21 =	sshll.u32 s6, $0x1;
	s3 =	sadd.s32 s4, s19  }
0x9c: {  	s7 =	simm.s32 $0x0;
	s20 =	sshll.u32 s5, $0x1;
	s5 =	sadd.s32 s21, s3  }
0x9d: {  	[timem:s7], [sflag:s22] =	dma.local [hbm:s5], s20  }
0x9e: {  	_ =	swait.ge [sflag:s22], s20  }
0x9f: {  	s4 =	ssub.s32 $0x0, s20;
	[sflag:s22] =	ssyncset.done $0x0  }
0xa0: {  	[sflag:s22] =	ssyncadd.s32 s4;
	_ =	sdelay $0x1  }
0xa1: {  	s23 =	simm.s32 $0x1B8B  }
0xa2: {  	_ =	swait.ge [sflag:s23], $0x1  }
0xa3: {  	[sflag:s23] =	ssyncset.done $0x0  }
0xa4: {  	s25 =	simm.s32 $0x1B8E;
	s24 =	sld [smem:$0x3FFE];
	[sflag:s23] =	ssyncadd.s32 $0xFFFFFFFF  }
0xa5: {  	s26 =	simm.s32 $execute0_lowered;
	[smem:$0x3FD2] =	sst s25  }
0xa6: {  	s5 =	sshll.u32 s26, $0x1;
	_ =	strace $0x80000046;
	[dreg:$0x1] =	wrdreg $0xFFFFFFFF  }
0xa7: {  	s28 =	simm.s32 $_size_execute0_lowered;
	s3 =	sadd.s32 s3, s5;
	[dreg:$0x0] =	wrdreg $0x0  }
0xa8: {  	s5 =	sshll.u32 s28, $0x1;
	[dreg:$0x2] =	wrdreg s3  }
0xa9: {  	[dreg:$0x3] =	wrdreg s5  }
0xaa: {  	[dreg:$0x4] =	wrdreg $0xC0  }
0xab: {  	_ =	task [dreg:s7], $0x5FFFF  }
0xac: {  	[dreg:$0x1] =	wrdreg $0xFFFFFFFF  }
0xad: {  	[dreg:$0x0] =	wrdreg $0x60  }
0xae: {  	[dreg:$0x2] =	wrdreg s24  }
0xaf: {  	[dreg:$0x3] =	wrdreg s2  }
0xb0: {  	[dreg:$0x4] =	wrdreg $0x9  }
0xb1: {  	_ =	task.clear_ibuf [dreg:s7], $0x5FFFF;
	_ =	strace $0x90000046  }
0xb2: {  	s29 =	simm.s32 $0x9;
	_ =	strace $0x80000048  }
0xb3: {  	_ =	swait.ge [sflag:s29], $0x1  }
0xb4: {  	[sflag:s29] =	ssyncadd.s32 $0xFFFFFFFF  }
0xb5: {  	_ =	strace $0x90000048  }
0xb6: {  	_ =	sfence  }
0xb7: {  	s30 =	sld [smem:$0x0];
	_ =	sdelay $0x2  }
0xb8: {  	s31 =	sshll.u32 s1, $0xD;
	s1 =	sshrl.u32 s1, $0x2  }
0xb9: {  	s3 =	sand.u32 $0x4000, s31;
	s1 =	sadd.s32 s1, s30  }
0xba: {  	s0 =	sor.u32 s3, s0;
	s1 =	sshll.u32 s1, $0x11  }
0xbb: {  	s0 =	sor.u32 s1, s0  }
0xbc: {  	s0 =	sadd.s32 $0x8F2B, s0  }
0xbd: {  	[sflag:s0] =	ssyncadd.remote.s32 $0x1  }
0xbe: {  	_ =	sfence.sel $0xFFFF  }
0xbf: {  	[dreg:$0x0] =	wrdreg $0xFFFFFFFF;
	(pc) =	sbr.abs _section_cstart, $3  }
0xc0: {  	[dreg:$0x1] =	wrdreg $0xFFFFFFFF  }
0xc1: {  	_ =	task.clear_ibuf [dreg:s7], $0x2FFFF;
	_ =	strace $0x9FFFFFFF  }
0xc2: {  	(tm) =	ssettm $0x7FFFFFFF  }
0xc3: {  	_ =	shalt  }
tec
execute0_lowered:
.L_overlay_start_1:
0x0: {  	(tag) =	ssettag $0x1  }
0x1: {  	s0 =	rddreg [dreg:$0x0]  }
0x2: {  	s1 =	rddreg [dreg:$0x1]  }
0x3: {  	s11 =	rddreg [dreg:$0x2]  }
0x4: {  	s3 =	srdreg.scid;
	s2 =	simm.s32 $0x0;
	s4 =	stileid.u32  }
0x5: {  	s21 =	simm.s32 $0x400;
	s22 =	simm.s32 $0x800;
	s7 =	simm.s32 $0x80  }
0x6: {  	s23 =	simm.s32 $0xC00;
	s24 =	simm.s32 $0x100;
	s25 =	simm.s32 $0x180  }
0x7: {  	s26 =	simm.s32 $0x200;
	s8 =	simm.s32 $0xD000;
	s13 =	simm.s32 $0x300  }
0x8: {  	s14 =	simm.s32 $0x480;
	s15 =	simm.s32 $0x500;
	s16 =	simm.s32 $0x580  }
0x9: {  	s17 =	simm.s32 $0x600;
	s18 =	simm.s32 $0x680;
	s19 =	simm.s32 $0x700  }
0xa: {  	s20 =	simm.s32 $0x880;
	p0 =	por $0x0, $0x0;
	[smem:$0x7FF] =	sst s2  }
0xb: {  	s28 =	simm.s32 $0xD00;
	_ =	strace $0x80000047;
	[dreg:$0x5] =	wrdreg s21  }
0xc: {  	s29 =	simm.s32 $0xD80;
	s30 =	simm.s32 $0xE00;
	[dreg:$0x6] =	wrdreg s22  }
0xd: {  	s31 =	simm.s32 $0xE80;
	s3 =	sand.u32 $0x1, s3;
	[dreg:$0x7] =	wrdreg s23  }
0xe: {  	s4 =	sshll.u32 s4, $0xA;
	s6 =	sadd.s32 $0x1000, s0;
	[dreg:$0x8] =	wrdreg s24  }
0xf: {  	s5 =	sshll.u32 s3, $0x9;
	s3 =	ssub.s32 $0x2, s3;
	[dreg:$0x9] =	wrdreg s25  }
0x10: {  	[dreg:$0xa] =	wrdreg s26;
	s21 =	simm.s32 $0x900;
	s9 =	sshrl.u32 s3, $0x1  }
0x11: {  	s22 =	simm.s32 $0x980;
	s23 =	simm.s32 $0xA00;
	s3 =	ssub.s32 s3, s9  }
0x12: {  	s24 =	simm.s32 $0xA80;
	s25 =	simm.s32 $0xB00;
	s12 =	smax.u32 s3, $0x1  }
0x13: {  	s26 =	simm.s32 $0xC80;
	s4 =	sor.u32 s5, s4;
	p1 =	sne.s32 s12, $0x1  }
.Ltmp0:
0x14: {  	s5 =	simm.s32 $0x1;
	s0 =	sadd.s32 s4, s0;
	(pc) =	sbr.rel @!p1 .LBB2_1-.Ltmp0, $4  }
0x15: {  	s4 =	sshll.u32 s4, $0x4;
	s9 =	simm.s32 $0x9000;
	s0 =	sadd.s32 $0x1C600, s0  }
0x16: {  	s10 =	sadd.s32 s1, s4;
	s3 =	simm.s32 $0x2;
	[dreg:$0x3] =	wrdreg s0  }
0x17: {  	s4 =	simm.s32 $0x1000;
	[dreg:$0x4] =	wrdreg s10;
	s10 =	simm.s32 $0x5000  }
0x18: {  	s0 =	sadd.s32 $0xFFFFFFFF, s12;
	s12 =	simm.s32 $0xF00;
	s1 =	rddreg [dreg:$0x3]  }
0x19: {  	[tilespmem:s2], [sflag:$0x2] =	stream.linear.gather [hbm4b:s1+s2], $0x1000, $0x38;
	[tilespmem:$0x11000] =	vst v63  }
0x1a: {  	_ =	swait.ge [sflag:s3], $0x1000  }
0x1b: {  	[sflag:s3] =	ssyncset.done $0x0  }
0x1c: {  	[sflag:s3] =	ssyncadd.s32 $0xFFFFF000  }
0x1d: {  	[tilespmem:s4], [sflag:$0x1] =	stream.indirect.gather [hbm4b:s6+s7], $0x80, s2, s7, $0xb8;
	[tilespmem:$0x11000] =	vst v63  }
0x1e: {  	s1 =	rddreg [dreg:$0x5]  }
0x1f: {  	[tilespmem:s10], [sflag:$0x1] =	stream.indirect.gather [hbm4b:s6+s7], $0x80, s1, s7, $0xb8;
	[tilespmem:$0x11000] =	vst v63  }
0x20: {  	s11 =	smov.u32 s0;
	s0 =	rddreg [dreg:$0x6]  }
0x21: {  	[tilespmem:s9], [sflag:$0x1] =	stream.indirect.gather [hbm4b:s6+s7], $0x80, s0, s7, $0xb8;
	[tilespmem:$0x11000] =	vst v63  }
0x22: {  	s1 =	rddreg [dreg:$0x7]  }
0x23: {  	[tilespmem:s8], [sflag:$0x1] =	stream.indirect.gather [hbm4b:s6+s7], $0x80, s1, s7, $0xb8;
	[tilespmem:$0x11000] =	vst v63  }
0x24: {  	_ =	swait.ge [sflag:s5], $0x4000  }
0x25: {  	[sflag:s5] =	ssyncset.done $0x0  }
0x26: {  	[sflag:s5] =	ssyncadd.s32 $0xFFFFC000  }
0x27: {  	_ =	swait.ge [sflag:s5], $0x4000  }
0x28: {  	[sflag:s5] =	ssyncset.done $0x0  }
0x29: {  	[sflag:s5] =	ssyncadd.s32 $0xFFFFC000  }
0x2a: {  	_ =	swait.ge [sflag:s5], $0x4000  }
0x2b: {  	[sflag:s5] =	ssyncset.done $0x0  }
0x2c: {  	[sflag:s5] =	ssyncadd.s32 $0xFFFFC000  }
0x2d: {  	_ =	swait.ge [sflag:s5], $0x4000  }
0x2e: {  	[sflag:s5] =	ssyncset.done $0x0  }
0x2f: {  	[sflag:s5] =	ssyncadd.s32 $0xFFFFC000  }
0x30: {  	[tilespmem:s4], [sflag:$0x1] =	stream.indirect.gather.add.f32 [hbm:s6], $0x80, s7, s7, $0xb8;
	[tilespmem:$0x11000] =	vst v63  }
0x31: {  	s0 =	rddreg [dreg:$0x8]  }
0x32: {  	[tilespmem:s4], [sflag:$0x1] =	stream.indirect.gather.add.f32 [hbm:s6], $0x80, s0, s7, $0xb8;
	[tilespmem:$0x11000] =	vst v63  }
0x33: {  	s1 =	rddreg [dreg:$0x9]  }
0x34: {  	[tilespmem:s4], [sflag:$0x1] =	stream.indirect.gather.add.f32 [hbm:s6], $0x80, s1, s7, $0xb8;
	[tilespmem:$0x11000] =	vst v63  }
0x35: {  	s0 =	rddreg [dreg:$0xa]  }
0x36: {  	[tilespmem:s4], [sflag:$0x1] =	stream.indirect.gather.add.f32 [hbm:s6], $0x80, s0, s7, $0xb8;
	[tilespmem:$0x11000] =	vst v63  }
0x37: {  	s1 =	simm.s32 $0x280  }
0x38: {  	[tilespmem:s4], [sflag:$0x1] =	stream.indirect.gather.add.f32 [hbm:s6], $0x80, s1, s7, $0xb8;
	[tilespmem:$0x11000] =	vst v63  }
0x39: {  	_ = 	snop  }
0x3a: {  	[tilespmem:s4], [sflag:$0x1] =	stream.indirect.gather.add.f32 [hbm:s6], $0x80, s13, s7, $0xb8;
	[tilespmem:$0x11000] =	vst v63  }
0x3b: {  	_ = 	snop  }
0x3c: {  	[tilespmem:s10], [sflag:$0x1] =	stream.indirect.gather.add.f32 [hbm:s6], $0x80, s14, s7, $0xb8;
	[tilespmem:$0x11000] =	vst v63  }
0x3d: {  	_ = 	snop  }
0x3e: {  	[tilespmem:s10], [sflag:$0x1] =	stream.indirect.gather.add.f32 [hbm:s6], $0x80, s15, s7, $0xb8;
	[tilespmem:$0x11000] =	vst v63  }
0x3f: {  	_ = 	snop  }
0x40: {  	[tilespmem:s10], [sflag:$0x1] =	stream.indirect.gather.add.f32 [hbm:s6], $0x80, s16, s7, $0xb8;
	[tilespmem:$0x11000] =	vst v63  }
0x41: {  	_ = 	snop  }
0x42: {  	[tilespmem:s10], [sflag:$0x1] =	stream.indirect.gather.add.f32 [hbm:s6], $0x80, s17, s7, $0xb8;
	[tilespmem:$0x11000] =	vst v63  }
0x43: {  	_ = 	snop  }
0x44: {  	[tilespmem:s10], [sflag:$0x1] =	stream.indirect.gather.add.f32 [hbm:s6], $0x80, s18, s7, $0xb8;
	[tilespmem:$0x11000] =	vst v63  }
0x45: {  	_ = 	snop  }
0x46: {  	[tilespmem:s10], [sflag:$0x1] =	stream.indirect.gather.add.f32 [hbm:s6], $0x80, s19, s7, $0xb8;
	[tilespmem:$0x11000] =	vst v63  }
0x47: {  	_ = 	snop  }
0x48: {  	[tilespmem:s9], [sflag:$0x1] =	stream.indirect.gather.add.f32 [hbm:s6], $0x80, s20, s7, $0xb8;
	[tilespmem:$0x11000] =	vst v63  }
0x49: {  	_ = 	snop  }
0x4a: {  	[tilespmem:s9], [sflag:$0x1] =	stream.indirect.gather.add.f32 [hbm:s6], $0x80, s21, s7, $0xb8;
	[tilespmem:$0x11000] =	vst v63  }
0x4b: {  	_ = 	snop  }
0x4c: {  	[tilespmem:s9], [sflag:$0x1] =	stream.indirect.gather.add.f32 [hbm:s6], $0x80, s22, s7, $0xb8;
	[tilespmem:$0x11000] =	vst v63  }
0x4d: {  	_ = 	snop  }
0x4e: {  	[tilespmem:s9], [sflag:$0x1] =	stream.indirect.gather.add.f32 [hbm:s6], $0x80, s23, s7, $0xb8;
	[tilespmem:$0x11000] =	vst v63  }
0x4f: {  	_ = 	snop  }
0x50: {  	[tilespmem:s9], [sflag:$0x1] =	stream.indirect.gather.add.f32 [hbm:s6], $0x80, s24, s7, $0xb8;
	[tilespmem:$0x11000] =	vst v63  }
0x51: {  	_ = 	snop  }
0x52: {  	[tilespmem:s9], [sflag:$0x1] =	stream.indirect.gather.add.f32 [hbm:s6], $0x80, s25, s7, $0xb8;
	[tilespmem:$0x11000] =	vst v63  }
0x53: {  	_ = 	snop  }
0x54: {  	[tilespmem:s8], [sflag:$0x1] =	stream.indirect.gather.add.f32 [hbm:s6], $0x80, s26, s7, $0xb8;
	[tilespmem:$0x11000] =	vst v63  }
0x55: {  	_ = 	snop  }
0x56: {  	[tilespmem:s8], [sflag:$0x1] =	stream.indirect.gather.add.f32 [hbm:s6], $0x80, s28, s7, $0xb8;
	[tilespmem:$0x11000] =	vst v63  }
0x57: {  	_ = 	snop  }
0x58: {  	[tilespmem:s8], [sflag:$0x1] =	stream.indirect.gather.add.f32 [hbm:s6], $0x80, s29, s7, $0xb8;
	[tilespmem:$0x11000] =	vst v63  }
0x59: {  	_ = 	snop  }
0x5a: {  	[tilespmem:s8], [sflag:$0x1] =	stream.indirect.gather.add.f32 [hbm:s6], $0x80, s30, s7, $0xb8;
	[tilespmem:$0x11000] =	vst v63  }
0x5b: {  	_ = 	snop  }
0x5c: {  	[tilespmem:s8], [sflag:$0x1] =	stream.indirect.gather.add.f32 [hbm:s6], $0x80, s31, s7, $0xb8;
	[tilespmem:$0x11000] =	vst v63  }
0x5d: {  	_ = 	snop  }
0x5e: {  	[tilespmem:s8], [sflag:$0x1] =	stream.indirect.gather.add.f32 [hbm:s6], $0x80, s12, s7, $0xb8;
	[tilespmem:$0x11000] =	vst v63  }
0x5f: {  	_ =	swait.ge [sflag:s5], $0x4000  }
0x60: {  	[sflag:s5] =	ssyncset.done $0x0  }
0x61: {  	[sflag:s5] =	ssyncadd.s32 $0xFFFFC000  }
0x62: {  	_ =	swait.ge [sflag:s5], $0x4000  }
0x63: {  	[sflag:s5] =	ssyncset.done $0x0  }
0x64: {  	[sflag:s5] =	ssyncadd.s32 $0xFFFFC000  }
0x65: {  	_ =	swait.ge [sflag:s5], $0x4000  }
0x66: {  	[sflag:s5] =	ssyncset.done $0x0  }
0x67: {  	[sflag:s5] =	ssyncadd.s32 $0xFFFFC000  }
0x68: {  	_ =	swait.ge [sflag:s5], $0x4000  }
0x69: {  	[sflag:s5] =	ssyncset.done $0x0  }
0x6a: {  	[sflag:s5] =	ssyncadd.s32 $0xFFFFC000  }
0x6b: {  	_ =	swait.ge [sflag:s5], $0x4000  }
0x6c: {  	[sflag:s5] =	ssyncset.done $0x0  }
0x6d: {  	[sflag:s5] =	ssyncadd.s32 $0xFFFFC000  }
0x6e: {  	_ =	swait.ge [sflag:s5], $0x4000  }
0x6f: {  	[sflag:s5] =	ssyncset.done $0x0  }
0x70: {  	[sflag:s5] =	ssyncadd.s32 $0xFFFFC000  }
0x71: {  	_ =	swait.ge [sflag:s5], $0x4000  }
0x72: {  	[sflag:s5] =	ssyncset.done $0x0  }
0x73: {  	[sflag:s5] =	ssyncadd.s32 $0xFFFFC000  }
0x74: {  	_ =	swait.ge [sflag:s5], $0x4000  }
0x75: {  	[sflag:s5] =	ssyncset.done $0x0  }
0x76: {  	[sflag:s5] =	ssyncadd.s32 $0xFFFFC000  }
0x77: {  	_ =	swait.ge [sflag:s5], $0x4000  }
0x78: {  	[sflag:s5] =	ssyncset.done $0x0  }
0x79: {  	[sflag:s5] =	ssyncadd.s32 $0xFFFFC000  }
0x7a: {  	_ =	swait.ge [sflag:s5], $0x4000  }
0x7b: {  	[sflag:s5] =	ssyncset.done $0x0  }
0x7c: {  	[sflag:s5] =	ssyncadd.s32 $0xFFFFC000  }
0x7d: {  	_ =	swait.ge [sflag:s5], $0x4000  }
0x7e: {  	[sflag:s5] =	ssyncset.done $0x0  }
0x7f: {  	[sflag:s5] =	ssyncadd.s32 $0xFFFFC000  }
0x80: {  	_ =	swait.ge [sflag:s5], $0x4000  }
0x81: {  	[sflag:s5] =	ssyncset.done $0x0  }
0x82: {  	[sflag:s5] =	ssyncadd.s32 $0xFFFFC000  }
0x83: {  	_ =	swait.ge [sflag:s5], $0x4000  }
0x84: {  	[sflag:s5] =	ssyncset.done $0x0  }
0x85: {  	[sflag:s5] =	ssyncadd.s32 $0xFFFFC000  }
0x86: {  	_ =	swait.ge [sflag:s5], $0x4000  }
0x87: {  	[sflag:s5] =	ssyncset.done $0x0  }
0x88: {  	[sflag:s5] =	ssyncadd.s32 $0xFFFFC000  }
0x89: {  	_ =	swait.ge [sflag:s5], $0x4000  }
0x8a: {  	[sflag:s5] =	ssyncset.done $0x0  }
0x8b: {  	[sflag:s5] =	ssyncadd.s32 $0xFFFFC000  }
0x8c: {  	_ =	swait.ge [sflag:s5], $0x4000  }
0x8d: {  	[sflag:s5] =	ssyncset.done $0x0  }
0x8e: {  	[sflag:s5] =	ssyncadd.s32 $0xFFFFC000  }
0x8f: {  	_ =	swait.ge [sflag:s5], $0x4000  }
0x90: {  	[sflag:s5] =	ssyncset.done $0x0  }
0x91: {  	[sflag:s5] =	ssyncadd.s32 $0xFFFFC000  }
0x92: {  	_ =	swait.ge [sflag:s5], $0x4000  }
0x93: {  	[sflag:s5] =	ssyncset.done $0x0  }
0x94: {  	[sflag:s5] =	ssyncadd.s32 $0xFFFFC000  }
0x95: {  	_ =	swait.ge [sflag:s5], $0x4000  }
0x96: {  	[sflag:s5] =	ssyncset.done $0x0  }
0x97: {  	[sflag:s5] =	ssyncadd.s32 $0xFFFFC000  }
0x98: {  	_ =	swait.ge [sflag:s5], $0x4000  }
0x99: {  	[sflag:s5] =	ssyncset.done $0x0  }
0x9a: {  	[sflag:s5] =	ssyncadd.s32 $0xFFFFC000  }
0x9b: {  	_ =	swait.ge [sflag:s5], $0x4000  }
0x9c: {  	[sflag:s5] =	ssyncset.done $0x0  }
0x9d: {  	[sflag:s5] =	ssyncadd.s32 $0xFFFFC000  }
0x9e: {  	_ =	swait.ge [sflag:s5], $0x4000  }
0x9f: {  	[sflag:s5] =	ssyncset.done $0x0  }
0xa0: {  	[sflag:s5] =	ssyncadd.s32 $0xFFFFC000  }
0xa1: {  	_ =	swait.ge [sflag:s5], $0x4000  }
0xa2: {  	[sflag:s5] =	ssyncset.done $0x0  }
0xa3: {  	[sflag:s5] =	ssyncadd.s32 $0xFFFFC000  }
0xa4: {  	p1 =	sne.s32 s11, $0x1;
	_ =	swait.ge [sflag:s5], $0x4000  }
.Ltmp1:
0xa5: {  	[sflag:s5] =	ssyncset.done $0x0;
	(pc) =	sbr.rel @!p1 .LBB2_3-.Ltmp1, $4  }
0xa6: {  	s1 =	rddreg [dreg:$0x4];
	[sflag:s5] =	ssyncadd.s32 $0xFFFFC000  }
0xa7: {  	[hbm4b:s1+s2] =	stream.linear.scatter [tilespmem:s4], [sflag:$0x2], $0x10000, $0x38;
	[tilespmem:$0x11000] =	vst v63  }
0xa8: {  	p0 =	por $0x1, $0x1;
	_ =	swait.ge [sflag:s3], $0x10000  }
0xa9: {  	s0 =	sadd.s32 $0xFFFFFFFF, s11;
	s1 =	rddreg [dreg:$0x3];
	[sflag:s3] =	ssyncset.done $0x0  }
.LBB2_4:
0xaa: {  	[sflag:s3] =	ssyncadd.s32 $0xFFFF0000  }
0xab: {  	[tilespmem:s2], [sflag:$0x2] =	stream.linear.gather [hbm4b:s1+s2], $0x1000, $0x38;
	[tilespmem:$0x11000] =	vst v63  }
0xac: {  	_ =	swait.ge [sflag:s3], $0x1000  }
0xad: {  	[sflag:s3] =	ssyncset.done $0x0  }
0xae: {  	[sflag:s3] =	ssyncadd.s32 $0xFFFFF000  }
0xaf: {  	[tilespmem:s4], [sflag:$0x1] =	stream.indirect.gather [hbm4b:s6+s7], $0x80, s2, s7, $0xb8;
	[tilespmem:$0x11000] =	vst v63  }
0xb0: {  	s1 =	rddreg [dreg:$0x5]  }
0xb1: {  	[tilespmem:s10], [sflag:$0x1] =	stream.indirect.gather [hbm4b:s6+s7], $0x80, s1, s7, $0xb8;
	[tilespmem:$0x11000] =	vst v63  }
0xb2: {  	s11 =	rddreg [dreg:$0x6]  }
0xb3: {  	[tilespmem:s9], [sflag:$0x1] =	stream.indirect.gather [hbm4b:s6+s7], $0x80, s11, s7, $0xb8;
	[tilespmem:$0x11000] =	vst v63  }
0xb4: {  	s1 =	rddreg [dreg:$0x7]  }
0xb5: {  	[tilespmem:s8], [sflag:$0x1] =	stream.indirect.gather [hbm4b:s6+s7], $0x80, s1, s7, $0xb8;
	[tilespmem:$0x11000] =	vst v63  }
0xb6: {  	_ =	swait.ge [sflag:s5], $0x4000  }
0xb7: {  	[sflag:s5] =	ssyncset.done $0x0  }
0xb8: {  	[sflag:s5] =	ssyncadd.s32 $0xFFFFC000  }
0xb9: {  	_ =	swait.ge [sflag:s5], $0x4000  }
0xba: {  	[sflag:s5] =	ssyncset.done $0x0  }
0xbb: {  	[sflag:s5] =	ssyncadd.s32 $0xFFFFC000  }
0xbc: {  	_ =	swait.ge [sflag:s5], $0x4000  }
0xbd: {  	[sflag:s5] =	ssyncset.done $0x0  }
0xbe: {  	[sflag:s5] =	ssyncadd.s32 $0xFFFFC000  }
0xbf: {  	_ =	swait.ge [sflag:s5], $0x4000  }
0xc0: {  	[sflag:s5] =	ssyncset.done $0x0  }
0xc1: {  	[sflag:s5] =	ssyncadd.s32 $0xFFFFC000  }
0xc2: {  	[tilespmem:s4], [sflag:$0x1] =	stream.indirect.gather.add.f32 [hbm:s6], $0x80, s7, s7, $0xb8;
	[tilespmem:$0x11000] =	vst v63  }
0xc3: {  	s1 =	rddreg [dreg:$0x8]  }
0xc4: {  	[tilespmem:s4], [sflag:$0x1] =	stream.indirect.gather.add.f32 [hbm:s6], $0x80, s1, s7, $0xb8;
	[tilespmem:$0x11000] =	vst v63  }
0xc5: {  	s11 =	rddreg [dreg:$0x9]  }
0xc6: {  	[tilespmem:s4], [sflag:$0x1] =	stream.indirect.gather.add.f32 [hbm:s6], $0x80, s11, s7, $0xb8;
	[tilespmem:$0x11000] =	vst v63  }
0xc7: {  	s1 =	rddreg [dreg:$0xa]  }
0xc8: {  	[tilespmem:s4], [sflag:$0x1] =	stream.indirect.gather.add.f32 [hbm:s6], $0x80, s1, s7, $0xb8;
	[tilespmem:$0x11000] =	vst v63  }
0xc9: {  	s11 =	simm.s32 $0x280  }
0xca: {  	[tilespmem:s4], [sflag:$0x1] =	stream.indirect.gather.add.f32 [hbm:s6], $0x80, s11, s7, $0xb8;
	[tilespmem:$0x11000] =	vst v63  }
0xcb: {  	_ = 	snop  }
0xcc: {  	[tilespmem:s4], [sflag:$0x1] =	stream.indirect.gather.add.f32 [hbm:s6], $0x80, s13, s7, $0xb8;
	[tilespmem:$0x11000] =	vst v63  }
0xcd: {  	_ = 	snop  }
0xce: {  	[tilespmem:s10], [sflag:$0x1] =	stream.indirect.gather.add.f32 [hbm:s6], $0x80, s14, s7, $0xb8;
	[tilespmem:$0x11000] =	vst v63  }
0xcf: {  	_ = 	snop  }
0xd0: {  	[tilespmem:s10], [sflag:$0x1] =	stream.indirect.gather.add.f32 [hbm:s6], $0x80, s15, s7, $0xb8;
	[tilespmem:$0x11000] =	vst v63  }
0xd1: {  	_ = 	snop  }
0xd2: {  	[tilespmem:s10], [sflag:$0x1] =	stream.indirect.gather.add.f32 [hbm:s6], $0x80, s16, s7, $0xb8;
	[tilespmem:$0x11000] =	vst v63  }
0xd3: {  	_ = 	snop  }
0xd4: {  	[tilespmem:s10], [sflag:$0x1] =	stream.indirect.gather.add.f32 [hbm:s6], $0x80, s17, s7, $0xb8;
	[tilespmem:$0x11000] =	vst v63  }
0xd5: {  	_ = 	snop  }
0xd6: {  	[tilespmem:s10], [sflag:$0x1] =	stream.indirect.gather.add.f32 [hbm:s6], $0x80, s18, s7, $0xb8;
	[tilespmem:$0x11000] =	vst v63  }
0xd7: {  	_ = 	snop  }
0xd8: {  	[tilespmem:s10], [sflag:$0x1] =	stream.indirect.gather.add.f32 [hbm:s6], $0x80, s19, s7, $0xb8;
	[tilespmem:$0x11000] =	vst v63  }
0xd9: {  	_ = 	snop  }
0xda: {  	[tilespmem:s9], [sflag:$0x1] =	stream.indirect.gather.add.f32 [hbm:s6], $0x80, s20, s7, $0xb8;
	[tilespmem:$0x11000] =	vst v63  }
0xdb: {  	_ = 	snop  }
0xdc: {  	[tilespmem:s9], [sflag:$0x1] =	stream.indirect.gather.add.f32 [hbm:s6], $0x80, s21, s7, $0xb8;
	[tilespmem:$0x11000] =	vst v63  }
0xdd: {  	_ = 	snop  }
0xde: {  	[tilespmem:s9], [sflag:$0x1] =	stream.indirect.gather.add.f32 [hbm:s6], $0x80, s22, s7, $0xb8;
	[tilespmem:$0x11000] =	vst v63  }
0xdf: {  	_ = 	snop  }
0xe0: {  	[tilespmem:s9], [sflag:$0x1] =	stream.indirect.gather.add.f32 [hbm:s6], $0x80, s23, s7, $0xb8;
	[tilespmem:$0x11000] =	vst v63  }
0xe1: {  	_ = 	snop  }
0xe2: {  	[tilespmem:s9], [sflag:$0x1] =	stream.indirect.gather.add.f32 [hbm:s6], $0x80, s24, s7, $0xb8;
	[tilespmem:$0x11000] =	vst v63  }
0xe3: {  	_ = 	snop  }
0xe4: {  	[tilespmem:s9], [sflag:$0x1] =	stream.indirect.gather.add.f32 [hbm:s6], $0x80, s25, s7, $0xb8;
	[tilespmem:$0x11000] =	vst v63  }
0xe5: {  	_ = 	snop  }
0xe6: {  	[tilespmem:s8], [sflag:$0x1] =	stream.indirect.gather.add.f32 [hbm:s6], $0x80, s26, s7, $0xb8;
	[tilespmem:$0x11000] =	vst v63  }
0xe7: {  	_ = 	snop  }
0xe8: {  	[tilespmem:s8], [sflag:$0x1] =	stream.indirect.gather.add.f32 [hbm:s6], $0x80, s28, s7, $0xb8;
	[tilespmem:$0x11000] =	vst v63  }
0xe9: {  	_ = 	snop  }
0xea: {  	[tilespmem:s8], [sflag:$0x1] =	stream.indirect.gather.add.f32 [hbm:s6], $0x80, s29, s7, $0xb8;
	[tilespmem:$0x11000] =	vst v63  }
0xeb: {  	_ = 	snop  }
0xec: {  	[tilespmem:s8], [sflag:$0x1] =	stream.indirect.gather.add.f32 [hbm:s6], $0x80, s30, s7, $0xb8;
	[tilespmem:$0x11000] =	vst v63  }
0xed: {  	_ = 	snop  }
0xee: {  	[tilespmem:s8], [sflag:$0x1] =	stream.indirect.gather.add.f32 [hbm:s6], $0x80, s31, s7, $0xb8;
	[tilespmem:$0x11000] =	vst v63  }
0xef: {  	_ = 	snop  }
0xf0: {  	[tilespmem:s8], [sflag:$0x1] =	stream.indirect.gather.add.f32 [hbm:s6], $0x80, s12, s7, $0xb8;
	[tilespmem:$0x11000] =	vst v63  }
0xf1: {  	_ =	swait.ge [sflag:s5], $0x4000  }
0xf2: {  	[sflag:s5] =	ssyncset.done $0x0  }
0xf3: {  	[sflag:s5] =	ssyncadd.s32 $0xFFFFC000  }
0xf4: {  	_ =	swait.ge [sflag:s5], $0x4000  }
0xf5: {  	[sflag:s5] =	ssyncset.done $0x0  }
0xf6: {  	[sflag:s5] =	ssyncadd.s32 $0xFFFFC000  }
0xf7: {  	_ =	swait.ge [sflag:s5], $0x4000  }
0xf8: {  	[sflag:s5] =	ssyncset.done $0x0  }
0xf9: {  	[sflag:s5] =	ssyncadd.s32 $0xFFFFC000  }
0xfa: {  	_ =	swait.ge [sflag:s5], $0x4000  }
0xfb: {  	[sflag:s5] =	ssyncset.done $0x0  }
0xfc: {  	[sflag:s5] =	ssyncadd.s32 $0xFFFFC000  }
0xfd: {  	_ =	swait.ge [sflag:s5], $0x4000  }
0xfe: {  	[sflag:s5] =	ssyncset.done $0x0  }
0xff: {  	[sflag:s5] =	ssyncadd.s32 $0xFFFFC000  }
0x100: {  	_ =	swait.ge [sflag:s5], $0x4000  }
0x101: {  	[sflag:s5] =	ssyncset.done $0x0  }
0x102: {  	[sflag:s5] =	ssyncadd.s32 $0xFFFFC000  }
0x103: {  	_ =	swait.ge [sflag:s5], $0x4000  }
0x104: {  	[sflag:s5] =	ssyncset.done $0x0  }
0x105: {  	[sflag:s5] =	ssyncadd.s32 $0xFFFFC000  }
0x106: {  	_ =	swait.ge [sflag:s5], $0x4000  }
0x107: {  	[sflag:s5] =	ssyncset.done $0x0  }
0x108: {  	[sflag:s5] =	ssyncadd.s32 $0xFFFFC000  }
0x109: {  	_ =	swait.ge [sflag:s5], $0x4000  }
0x10a: {  	[sflag:s5] =	ssyncset.done $0x0  }
0x10b: {  	[sflag:s5] =	ssyncadd.s32 $0xFFFFC000  }
0x10c: {  	_ =	swait.ge [sflag:s5], $0x4000  }
0x10d: {  	[sflag:s5] =	ssyncset.done $0x0  }
0x10e: {  	[sflag:s5] =	ssyncadd.s32 $0xFFFFC000  }
0x10f: {  	_ =	swait.ge [sflag:s5], $0x4000  }
0x110: {  	[sflag:s5] =	ssyncset.done $0x0  }
0x111: {  	[sflag:s5] =	ssyncadd.s32 $0xFFFFC000  }
0x112: {  	_ =	swait.ge [sflag:s5], $0x4000  }
0x113: {  	[sflag:s5] =	ssyncset.done $0x0  }
0x114: {  	[sflag:s5] =	ssyncadd.s32 $0xFFFFC000  }
0x115: {  	_ =	swait.ge [sflag:s5], $0x4000  }
0x116: {  	[sflag:s5] =	ssyncset.done $0x0  }
0x117: {  	[sflag:s5] =	ssyncadd.s32 $0xFFFFC000  }
0x118: {  	_ =	swait.ge [sflag:s5], $0x4000  }
0x119: {  	[sflag:s5] =	ssyncset.done $0x0  }
0x11a: {  	[sflag:s5] =	ssyncadd.s32 $0xFFFFC000  }
0x11b: {  	_ =	swait.ge [sflag:s5], $0x4000  }
0x11c: {  	[sflag:s5] =	ssyncset.done $0x0  }
0x11d: {  	[sflag:s5] =	ssyncadd.s32 $0xFFFFC000  }
0x11e: {  	_ =	swait.ge [sflag:s5], $0x4000  }
0x11f: {  	[sflag:s5] =	ssyncset.done $0x0  }
0x120: {  	[sflag:s5] =	ssyncadd.s32 $0xFFFFC000  }
0x121: {  	_ =	swait.ge [sflag:s5], $0x4000  }
0x122: {  	[sflag:s5] =	ssyncset.done $0x0  }
0x123: {  	[sflag:s5] =	ssyncadd.s32 $0xFFFFC000  }
0x124: {  	_ =	swait.ge [sflag:s5], $0x4000  }
0x125: {  	[sflag:s5] =	ssyncset.done $0x0  }
0x126: {  	[sflag:s5] =	ssyncadd.s32 $0xFFFFC000  }
0x127: {  	_ =	swait.ge [sflag:s5], $0x4000  }
0x128: {  	[sflag:s5] =	ssyncset.done $0x0  }
0x129: {  	[sflag:s5] =	ssyncadd.s32 $0xFFFFC000  }
0x12a: {  	_ =	swait.ge [sflag:s5], $0x4000  }
0x12b: {  	[sflag:s5] =	ssyncset.done $0x0  }
0x12c: {  	[sflag:s5] =	ssyncadd.s32 $0xFFFFC000  }
0x12d: {  	_ =	swait.ge [sflag:s5], $0x4000  }
0x12e: {  	[sflag:s5] =	ssyncset.done $0x0  }
0x12f: {  	[sflag:s5] =	ssyncadd.s32 $0xFFFFC000  }
0x130: {  	_ =	swait.ge [sflag:s5], $0x4000  }
0x131: {  	[sflag:s5] =	ssyncset.done $0x0  }
0x132: {  	[sflag:s5] =	ssyncadd.s32 $0xFFFFC000  }
0x133: {  	_ =	swait.ge [sflag:s5], $0x4000  }
0x134: {  	[sflag:s5] =	ssyncset.done $0x0  }
0x135: {  	[sflag:s5] =	ssyncadd.s32 $0xFFFFC000  }
0x136: {  	p1 =	sne.s32 s0, $0x1;
	_ =	swait.ge [sflag:s5], $0x4000  }
.Ltmp2:
0x137: {  	[sflag:s5] =	ssyncset.done $0x0;
	(pc) =	sbr.rel @p1 .LBB2_4-.Ltmp2, $4  }
0x138: {  	s11 =	rddreg [dreg:$0x4];
	[sflag:s5] =	ssyncadd.s32 $0xFFFFC000  }
0x139: {  	[hbm4b:s11+s2] =	stream.linear.scatter [tilespmem:s4], [sflag:$0x2], $0x10000, $0x38;
	[tilespmem:$0x11000] =	vst v63  }
0x13a: {  	_ =	swait.ge [sflag:s3], $0x10000  }
0x13b: {  	s0 =	sadd.s32 $0xFFFFFFFF, s0;
	s1 =	rddreg [dreg:$0x3];
	[sflag:s3] =	ssyncset.done $0x0  }
0x13c: {  	s31 =	simm.s32 $0xE80;
	s30 =	simm.s32 $0xE00  }
0x13d: {  	s29 =	simm.s32 $0xD80;
	s28 =	simm.s32 $0xD00;
	s26 =	simm.s32 $0xC80  }
0x13e: {  	s25 =	simm.s32 $0xB00;
	s24 =	simm.s32 $0xA80;
	s23 =	simm.s32 $0xA00  }
0x13f: {  	s22 =	simm.s32 $0x980;
	s21 =	simm.s32 $0x900;
	s20 =	simm.s32 $0x880  }
0x140: {  	s19 =	simm.s32 $0x700;
	s18 =	simm.s32 $0x680;
	s17 =	simm.s32 $0x600  }
0x141: {  	s16 =	simm.s32 $0x580;
	s15 =	simm.s32 $0x500;
	s14 =	simm.s32 $0x480  }
0x142: {  	s13 =	simm.s32 $0x300;
	s12 =	simm.s32 $0x280;
	s11 =	rddreg [dreg:$0x2]  }
.LBB2_6:
0x143: {  	[sflag:s3] =	ssyncadd.s32 @p0 $0xFFFF0000  }
0x144: {  	[tilespmem:s2], [sflag:$0x2] =	stream.linear.gather [hbm4b:s1+s2], $0x1000, $0x38;
	[tilespmem:$0x11000] =	vst v63  }
0x145: {  	_ =	swait.ge [sflag:s3], $0x1000  }
0x146: {  	[sflag:s3] =	ssyncset.done $0x0  }
0x147: {  	[sflag:s3] =	ssyncadd.s32 $0xFFFFF000  }
0x148: {  	[tilespmem:s4], [sflag:$0x1] =	stream.indirect.gather [hbm4b:s6+s7], $0x80, s2, s7, $0xb8;
	[tilespmem:$0x11000] =	vst v63  }
0x149: {  	s0 =	rddreg [dreg:$0x5]  }
0x14a: {  	[tilespmem:s10], [sflag:$0x1] =	stream.indirect.gather [hbm4b:s6+s7], $0x80, s0, s7, $0xb8;
	[tilespmem:$0x11000] =	vst v63  }
0x14b: {  	s1 =	rddreg [dreg:$0x6]  }
0x14c: {  	[tilespmem:s9], [sflag:$0x1] =	stream.indirect.gather [hbm4b:s6+s7], $0x80, s1, s7, $0xb8;
	[tilespmem:$0x11000] =	vst v63  }
0x14d: {  	s0 =	rddreg [dreg:$0x7]  }
0x14e: {  	[tilespmem:s8], [sflag:$0x1] =	stream.indirect.gather [hbm4b:s6+s7], $0x80, s0, s7, $0xb8;
	[tilespmem:$0x11000] =	vst v63  }
0x14f: {  	_ =	swait.ge [sflag:s5], $0x4000  }
0x150: {  	[sflag:s5] =	ssyncset.done $0x0  }
0x151: {  	[sflag:s5] =	ssyncadd.s32 $0xFFFFC000  }
0x152: {  	_ =	swait.ge [sflag:s5], $0x4000  }
0x153: {  	[sflag:s5] =	ssyncset.done $0x0  }
0x154: {  	[sflag:s5] =	ssyncadd.s32 $0xFFFFC000  }
0x155: {  	_ =	swait.ge [sflag:s5], $0x4000  }
0x156: {  	[sflag:s5] =	ssyncset.done $0x0  }
0x157: {  	[sflag:s5] =	ssyncadd.s32 $0xFFFFC000  }
0x158: {  	_ =	swait.ge [sflag:s5], $0x4000  }
0x159: {  	[sflag:s5] =	ssyncset.done $0x0  }
0x15a: {  	[sflag:s5] =	ssyncadd.s32 $0xFFFFC000  }
0x15b: {  	[tilespmem:s4], [sflag:$0x1] =	stream.indirect.gather.add.f32 [hbm:s6], $0x80, s7, s7, $0xb8;
	[tilespmem:$0x11000] =	vst v63  }
0x15c: {  	s0 =	rddreg [dreg:$0x8]  }
0x15d: {  	[tilespmem:s4], [sflag:$0x1] =	stream.indirect.gather.add.f32 [hbm:s6], $0x80, s0, s7, $0xb8;
	[tilespmem:$0x11000] =	vst v63  }
0x15e: {  	s1 =	rddreg [dreg:$0x9]  }
0x15f: {  	[tilespmem:s4], [sflag:$0x1] =	stream.indirect.gather.add.f32 [hbm:s6], $0x80, s1, s7, $0xb8;
	[tilespmem:$0x11000] =	vst v63  }
0x160: {  	s0 =	rddreg [dreg:$0xa]  }
0x161: {  	[tilespmem:s4], [sflag:$0x1] =	stream.indirect.gather.add.f32 [hbm:s6], $0x80, s0, s7, $0xb8;
	[tilespmem:$0x11000] =	vst v63  }
0x162: {  	_ = 	snop  }
0x163: {  	[tilespmem:s4], [sflag:$0x1] =	stream.indirect.gather.add.f32 [hbm:s6], $0x80, s12, s7, $0xb8;
	[tilespmem:$0x11000] =	vst v63  }
0x164: {  	_ = 	snop  }
0x165: {  	[tilespmem:s4], [sflag:$0x1] =	stream.indirect.gather.add.f32 [hbm:s6], $0x80, s13, s7, $0xb8;
	[tilespmem:$0x11000] =	vst v63  }
0x166: {  	_ = 	snop  }
0x167: {  	[tilespmem:s10], [sflag:$0x1] =	stream.indirect.gather.add.f32 [hbm:s6], $0x80, s14, s7, $0xb8;
	[tilespmem:$0x11000] =	vst v63  }
0x168: {  	_ = 	snop  }
0x169: {  	[tilespmem:s10], [sflag:$0x1] =	stream.indirect.gather.add.f32 [hbm:s6], $0x80, s15, s7, $0xb8;
	[tilespmem:$0x11000] =	vst v63  }
0x16a: {  	_ = 	snop  }
0x16b: {  	[tilespmem:s10], [sflag:$0x1] =	stream.indirect.gather.add.f32 [hbm:s6], $0x80, s16, s7, $0xb8;
	[tilespmem:$0x11000] =	vst v63  }
0x16c: {  	_ = 	snop  }
0x16d: {  	[tilespmem:s10], [sflag:$0x1] =	stream.indirect.gather.add.f32 [hbm:s6], $0x80, s17, s7, $0xb8;
	[tilespmem:$0x11000] =	vst v63  }
0x16e: {  	_ = 	snop  }
0x16f: {  	[tilespmem:s10], [sflag:$0x1] =	stream.indirect.gather.add.f32 [hbm:s6], $0x80, s18, s7, $0xb8;
	[tilespmem:$0x11000] =	vst v63  }
0x170: {  	_ = 	snop  }
0x171: {  	[tilespmem:s10], [sflag:$0x1] =	stream.indirect.gather.add.f32 [hbm:s6], $0x80, s19, s7, $0xb8;
	[tilespmem:$0x11000] =	vst v63  }
0x172: {  	_ = 	snop  }
0x173: {  	[tilespmem:s9], [sflag:$0x1] =	stream.indirect.gather.add.f32 [hbm:s6], $0x80, s20, s7, $0xb8;
	[tilespmem:$0x11000] =	vst v63  }
0x174: {  	_ = 	snop  }
0x175: {  	[tilespmem:s9], [sflag:$0x1] =	stream.indirect.gather.add.f32 [hbm:s6], $0x80, s21, s7, $0xb8;
	[tilespmem:$0x11000] =	vst v63  }
0x176: {  	_ = 	snop  }
0x177: {  	[tilespmem:s9], [sflag:$0x1] =	stream.indirect.gather.add.f32 [hbm:s6], $0x80, s22, s7, $0xb8;
	[tilespmem:$0x11000] =	vst v63  }
0x178: {  	_ = 	snop  }
0x179: {  	[tilespmem:s9], [sflag:$0x1] =	stream.indirect.gather.add.f32 [hbm:s6], $0x80, s23, s7, $0xb8;
	[tilespmem:$0x11000] =	vst v63  }
0x17a: {  	_ = 	snop  }
0x17b: {  	[tilespmem:s9], [sflag:$0x1] =	stream.indirect.gather.add.f32 [hbm:s6], $0x80, s24, s7, $0xb8;
	[tilespmem:$0x11000] =	vst v63  }
0x17c: {  	_ = 	snop  }
0x17d: {  	[tilespmem:s9], [sflag:$0x1] =	stream.indirect.gather.add.f32 [hbm:s6], $0x80, s25, s7, $0xb8;
	[tilespmem:$0x11000] =	vst v63  }
0x17e: {  	_ = 	snop  }
0x17f: {  	[tilespmem:s8], [sflag:$0x1] =	stream.indirect.gather.add.f32 [hbm:s6], $0x80, s26, s7, $0xb8;
	[tilespmem:$0x11000] =	vst v63  }
0x180: {  	_ = 	snop  }
0x181: {  	[tilespmem:s8], [sflag:$0x1] =	stream.indirect.gather.add.f32 [hbm:s6], $0x80, s28, s7, $0xb8;
	[tilespmem:$0x11000] =	vst v63  }
0x182: {  	_ = 	snop  }
0x183: {  	[tilespmem:s8], [sflag:$0x1] =	stream.indirect.gather.add.f32 [hbm:s6], $0x80, s29, s7, $0xb8;
	[tilespmem:$0x11000] =	vst v63  }
0x184: {  	_ = 	snop  }
0x185: {  	[tilespmem:s8], [sflag:$0x1] =	stream.indirect.gather.add.f32 [hbm:s6], $0x80, s30, s7, $0xb8;
	[tilespmem:$0x11000] =	vst v63  }
0x186: {  	_ = 	snop  }
0x187: {  	[tilespmem:s8], [sflag:$0x1] =	stream.indirect.gather.add.f32 [hbm:s6], $0x80, s31, s7, $0xb8;
	[tilespmem:$0x11000] =	vst v63  }
0x188: {  	s29 =	simm.s32 $0xF00  }
0x189: {  	[tilespmem:s8], [sflag:$0x1] =	stream.indirect.gather.add.f32 [hbm:s6], $0x80, s29, s7, $0xb8;
	[tilespmem:$0x11000] =	vst v63  }
0x18a: {  	_ =	swait.ge [sflag:s5], $0x4000  }
0x18b: {  	[sflag:s5] =	ssyncset.done $0x0  }
0x18c: {  	[sflag:s5] =	ssyncadd.s32 $0xFFFFC000  }
0x18d: {  	_ =	swait.ge [sflag:s5], $0x4000  }
0x18e: {  	[sflag:s5] =	ssyncset.done $0x0  }
0x18f: {  	[sflag:s5] =	ssyncadd.s32 $0xFFFFC000  }
0x190: {  	_ =	swait.ge [sflag:s5], $0x4000  }
0x191: {  	[sflag:s5] =	ssyncset.done $0x0  }
0x192: {  	[sflag:s5] =	ssyncadd.s32 $0xFFFFC000  }
0x193: {  	_ =	swait.ge [sflag:s5], $0x4000  }
0x194: {  	[sflag:s5] =	ssyncset.done $0x0  }
0x195: {  	[sflag:s5] =	ssyncadd.s32 $0xFFFFC000  }
0x196: {  	_ =	swait.ge [sflag:s5], $0x4000  }
0x197: {  	[sflag:s5] =	ssyncset.done $0x0  }
0x198: {  	[sflag:s5] =	ssyncadd.s32 $0xFFFFC000  }
0x199: {  	_ =	swait.ge [sflag:s5], $0x4000  }
0x19a: {  	[sflag:s5] =	ssyncset.done $0x0  }
0x19b: {  	[sflag:s5] =	ssyncadd.s32 $0xFFFFC000  }
0x19c: {  	_ =	swait.ge [sflag:s5], $0x4000  }
0x19d: {  	[sflag:s5] =	ssyncset.done $0x0  }
0x19e: {  	[sflag:s5] =	ssyncadd.s32 $0xFFFFC000  }
0x19f: {  	_ =	swait.ge [sflag:s5], $0x4000  }
0x1a0: {  	[sflag:s5] =	ssyncset.done $0x0  }
0x1a1: {  	[sflag:s5] =	ssyncadd.s32 $0xFFFFC000  }
0x1a2: {  	_ =	swait.ge [sflag:s5], $0x4000  }
0x1a3: {  	[sflag:s5] =	ssyncset.done $0x0  }
0x1a4: {  	[sflag:s5] =	ssyncadd.s32 $0xFFFFC000  }
0x1a5: {  	_ =	swait.ge [sflag:s5], $0x4000  }
0x1a6: {  	[sflag:s5] =	ssyncset.done $0x0  }
0x1a7: {  	[sflag:s5] =	ssyncadd.s32 $0xFFFFC000  }
0x1a8: {  	_ =	swait.ge [sflag:s5], $0x4000  }
0x1a9: {  	[sflag:s5] =	ssyncset.done $0x0  }
0x1aa: {  	[sflag:s5] =	ssyncadd.s32 $0xFFFFC000  }
0x1ab: {  	_ =	swait.ge [sflag:s5], $0x4000  }
0x1ac: {  	[sflag:s5] =	ssyncset.done $0x0  }
0x1ad: {  	[sflag:s5] =	ssyncadd.s32 $0xFFFFC000  }
0x1ae: {  	_ =	swait.ge [sflag:s5], $0x4000  }
0x1af: {  	[sflag:s5] =	ssyncset.done $0x0  }
0x1b0: {  	[sflag:s5] =	ssyncadd.s32 $0xFFFFC000  }
0x1b1: {  	_ =	swait.ge [sflag:s5], $0x4000  }
0x1b2: {  	[sflag:s5] =	ssyncset.done $0x0  }
0x1b3: {  	[sflag:s5] =	ssyncadd.s32 $0xFFFFC000  }
0x1b4: {  	_ =	swait.ge [sflag:s5], $0x4000  }
0x1b5: {  	[sflag:s5] =	ssyncset.done $0x0  }
0x1b6: {  	[sflag:s5] =	ssyncadd.s32 $0xFFFFC000  }
0x1b7: {  	_ =	swait.ge [sflag:s5], $0x4000  }
0x1b8: {  	[sflag:s5] =	ssyncset.done $0x0  }
0x1b9: {  	[sflag:s5] =	ssyncadd.s32 $0xFFFFC000  }
0x1ba: {  	_ =	swait.ge [sflag:s5], $0x4000  }
0x1bb: {  	[sflag:s5] =	ssyncset.done $0x0  }
0x1bc: {  	[sflag:s5] =	ssyncadd.s32 $0xFFFFC000  }
0x1bd: {  	_ =	swait.ge [sflag:s5], $0x4000  }
0x1be: {  	[sflag:s5] =	ssyncset.done $0x0  }
0x1bf: {  	[sflag:s5] =	ssyncadd.s32 $0xFFFFC000  }
0x1c0: {  	_ =	swait.ge [sflag:s5], $0x4000  }
0x1c1: {  	[sflag:s5] =	ssyncset.done $0x0  }
0x1c2: {  	[sflag:s5] =	ssyncadd.s32 $0xFFFFC000  }
0x1c3: {  	_ =	swait.ge [sflag:s5], $0x4000  }
0x1c4: {  	[sflag:s5] =	ssyncset.done $0x0  }
0x1c5: {  	[sflag:s5] =	ssyncadd.s32 $0xFFFFC000  }
0x1c6: {  	_ =	swait.ge [sflag:s5], $0x4000  }
0x1c7: {  	[sflag:s5] =	ssyncset.done $0x0  }
0x1c8: {  	[sflag:s5] =	ssyncadd.s32 $0xFFFFC000  }
0x1c9: {  	_ =	swait.ge [sflag:s5], $0x4000  }
0x1ca: {  	[sflag:s5] =	ssyncset.done $0x0  }
0x1cb: {  	[sflag:s5] =	ssyncadd.s32 $0xFFFFC000  }
0x1cc: {  	_ =	swait.ge [sflag:s5], $0x4000  }
0x1cd: {  	[sflag:s5] =	ssyncset.done $0x0  }
0x1ce: {  	[sflag:s5] =	ssyncadd.s32 $0xFFFFC000  }
0x1cf: {  	_ =	swait.ge [sflag:s5], $0x4000  }
0x1d0: {  	[sflag:s5] =	ssyncset.done $0x0  }
0x1d1: {  	s30 =	rddreg [dreg:$0x4];
	[sflag:s5] =	ssyncadd.s32 $0xFFFFC000  }
0x1d2: {  	[hbm4b:s30+s2] =	stream.linear.scatter [tilespmem:s4], [sflag:$0x2], $0x10000, $0x38;
	[tilespmem:$0x11000] =	vst v63  }
0x1d3: {  	_ =	swait.ge [sflag:s3], $0x10000  }
0x1d4: {  	[sflag:s3] =	ssyncset.done $0x0  }
0x1d5: {  	[sflag:s3] =	ssyncadd.s32 $0xFFFF0000  }
0x1d6: {  	_ =	sfence.sel $0x180000  }
0x1d7: {  	s31 =	stileid.u32;
	[bflag:$0x0] =	sbarrier.arrive $0xFFFF  }
0x1d8: {  	p0 =	sne.s32 s31, $0x0;
	_ =	strace $0x90000047  }
0x1d9: {  	s0 =	sadd.s32 @!p0 $0x100000, s11;
	[bflag:$0x2] =	sbarrier.arrive $0xFFFF  }
0x1da: {  	[sflag:s0] =	ssyncadd.tile.s32 @!p0 $0x1;
	_ =	shalt  }
.LBB2_1:
0x1db: {  	s31 =	simm.s32 $0xE80;
	s30 =	simm.s32 $0xE00  }
0x1dc: {  	s29 =	simm.s32 $0xD80;
	s28 =	simm.s32 $0xD00;
	s26 =	simm.s32 $0xC80  }
.Ltmp3:
0x1dd: {  	s25 =	simm.s32 $0xB00;
	s24 =	simm.s32 $0xA80;
	(pc) =	sbr.rel .LBB2_6-.Ltmp3, $4  }
0x1de: {  	s23 =	simm.s32 $0xA00;
	s22 =	simm.s32 $0x980;
	s21 =	simm.s32 $0x900  }
0x1df: {  	s20 =	simm.s32 $0x880;
	s19 =	simm.s32 $0x700;
	s18 =	simm.s32 $0x680  }
0x1e0: {  	s17 =	simm.s32 $0x600;
	s16 =	simm.s32 $0x580;
	s15 =	simm.s32 $0x500  }
0x1e1: {  	s14 =	simm.s32 $0x480;
	s13 =	simm.s32 $0x300;
	s12 =	simm.s32 $0x280  }
.LBB2_3:
0x1e2: {  	s31 =	simm.s32 $0xE80;
	s30 =	simm.s32 $0xE00;
	s29 =	simm.s32 $0xD80  }
0x1e3: {  	s28 =	simm.s32 $0xD00;
	s26 =	simm.s32 $0xC80;
	s25 =	simm.s32 $0xB00  }
.Ltmp4:
0x1e4: {  	s24 =	simm.s32 $0xA80;
	s23 =	simm.s32 $0xA00;
	(pc) =	sbr.rel .LBB2_6-.Ltmp4, $4  }
0x1e5: {  	s22 =	simm.s32 $0x980;
	s21 =	simm.s32 $0x900;
	s20 =	simm.s32 $0x880  }
0x1e6: {  	s19 =	simm.s32 $0x700;
	s18 =	simm.s32 $0x680;
	s17 =	simm.s32 $0x600  }
0x1e7: {  	s16 =	simm.s32 $0x580;
	s15 =	simm.s32 $0x500;
	s14 =	simm.s32 $0x480  }
0x1e8: {  	s13 =	simm.s32 $0x300;
	s12 =	simm.s32 $0x280;
	s11 =	rddreg [dreg:$0x2]  }
.Lfunc_end2:
_tile_overlayer_lowered:
.L_overlay_start_2:
0x1e9: {  	(tag) =	ssettag $0x2  }
0x1ea: {  	s0 =	rddreg [dreg:$0x0];
	s2 =	stileid.u32  }
0x1eb: {  	s1 =	rddreg [dreg:$0x1];
	p0 =	sne.s32 s2, $0x0  }
0x1ec: {  	s3 =	rddreg [dreg:$0x2];
	[bflag:$0x3] =	sbarrier.arrive $0xFFFF;
	s2 =	simm.s32 @!p0 $0x1C02  }
0x1ed: {  	[timem:s3], [sflag:s2] =	dma.local @!p0 [hbm:s0], s1  }
0x1ee: {  	s0 =	simm.s32 @!p0 $0x2  }
0x1ef: {  	_ =	swait.ge @!p0 [sflag:s0], s1  }
0x1f0: {  	s1 =	ssub.s32 @!p0 $0x0, s1;
	[sflag:s0] =	ssyncset.done @!p0 $0x0  }
0x1f1: {  	[sflag:s0] =	ssyncadd.s32 @!p0 s1  }
0x1f2: {  	[bflag:$0x3] =	sbarrier.arrive $0xFFFF  }
0x1f3: {  	_ =	shalt  }

</sc_bundles>
